<compile_context>
chip_gen: v7x
topology: tpu7x:2x2x1
jax: 0.10.2.dev20260603
libtpu: 0.0.44.dev20260713+nightly
codegen_flags: <defaults>
</compile_context>

<pallas_src>
import functools

import jax
import jax.numpy as jnp
from jax import lax
from jax.experimental import pallas as pl
from jax.experimental.pallas import tpu as pltpu
from jax.experimental.pallas import tpu_sc as plsc

_B, _L = 16384, 200
_N = _B * _L
_V, _D = 1000, 100
_VPAD = 1024

_NC, _NS = 2, 16
_NW = _NC * _NS
_CW = _B // _NW
_RB = 8
_NBLK = _L // _RB
_NBUF = 4

_sc_mesh = plsc.VectorSubcoreMesh(core_axis_name="c", subcore_axis_name="s")


@functools.partial(
    pl.kernel,
    mesh=_sc_mesh,
    out_type=jax.ShapeDtypeStruct((_L, _B // 1024, 8, 128), jnp.float32),
    scratch_types=[
        pltpu.VMEM((_VPAD,), jnp.float32),
        pltpu.VMEM((_D, 128), jnp.float32),
        pltpu.VMEM((_D + 12,), jnp.float32),
        pltpu.VMEM_SHARED((_VPAD,), jnp.float32),
        pltpu.VMEM((_NBUF, _RB, _CW), jnp.int32),
        pltpu.VMEM((_NBUF, _RB, 4, 128), jnp.float32),
        pltpu.SemaphoreType.DMA((_NBUF,)),
        pltpu.SemaphoreType.DMA((_NBUF,)),
    ],
    compiler_params=pltpu.CompilerParams(
        needs_layout_passes=False,
        use_tc_tiling_on_sc=True,
        disable_bounds_checks=True,
        skip_device_barrier=True,
    ),
)
def _sc_kernel(wt_hbm, w7_hbm, dwb_hbm, idx_hbm, out_hbm,
               table_v, wblk_v, dw_v, table_sh, idx_v, out_v,
               sem_in, sem_out):
    sid = lax.axis_index("s")
    wid = sid * _NC + lax.axis_index("c")
    c0 = wid * _CW
    k0 = wid // 2
    r0 = (wid % 2) * 4

    def in_copy(m, b):
        return pltpu.make_async_copy(
            idx_hbm.at[pl.ds(m * _RB, _RB), pl.ds(c0, _CW)],
            idx_v.at[b], sem_in.at[b])

    def out_copy(m, b):
        return pltpu.make_async_copy(
            out_v.at[b],
            out_hbm.at[pl.ds(m * _RB, _RB), k0, pl.ds(r0, 4), :],
            sem_out.at[b])

    for p in range(_NBUF):
        in_copy(p, p).start()

    pltpu.sync_copy(dwb_hbm, dw_v)

    @pl.when(sid < 8)
    def _build():
        v0 = sid * 128

        @pl.when(sid < 7)
        def _():
            pltpu.sync_copy(wt_hbm.at[:, pl.ds(v0, 128)], wblk_v)

        @pl.when(sid == 7)
        def _():
            pltpu.sync_copy(w7_hbm, wblk_v)

        bias = plsc.load_gather(dw_v, [jnp.full((16,), _D, jnp.int32)])
        acc0 = tuple(bias for _ in range(8))

        def fma(d, acc):
            w = plsc.load_gather(dw_v, [jnp.full((16,), d, jnp.int32)])
            return tuple(
                acc[j] + wblk_v[d, pl.ds(j * 16, 16)] * w for j in range(8))

        acc = lax.fori_loop(0, _D, fma, acc0, unroll=2)
        for j in range(8):
            table_v[pl.ds(j * 16, 16)] = acc[j]
        pltpu.sync_copy(table_v.at[pl.ds(0, 128)], table_sh.at[pl.ds(v0, 128)])

    plsc.subcore_barrier()
    pltpu.sync_copy(table_sh, table_v)

    def block(m, carry):
        b = lax.rem(m, _NBUF)
        in_copy(m, b).wait()

        @pl.when(m >= _NBUF)
        def _():
            out_copy(m - _NBUF, b).wait()

        @plsc.parallel_loop(0, _RB, unroll=2)
        def _gather_row(l):
            for j in range(_CW // 16):
                c = j * 16
                out_v[b, l, c // 128, pl.ds(c % 128, 16)] = plsc.load_gather(
                    table_v, [idx_v[b, l, pl.ds(c, 16)]])

        out_copy(m, b).start()

        @pl.when(m + _NBUF < _NBLK)
        def _():
            in_copy(m + _NBUF, b).start()

        return carry

    lax.fori_loop(0, _NBLK, block, 0)
    for p in range(_NBUF):
        m = _NBLK - _NBUF + p
        out_copy(m, m % _NBUF).wait()


def kernel(x, embd_weight, dense_W, dense_b):
    wt = jnp.swapaxes(embd_weight, 0, 1)
    w7 = jnp.zeros((_D, 128), jnp.float32).at[:, : _V - 896].set(
        wt[:, 896:_V])
    dwb = jnp.concatenate(
        [dense_W.reshape(_D), dense_b, jnp.zeros((11,), jnp.float32)])
    idx_t = jnp.swapaxes(x.astype(jnp.int32), 0, 1)
    out4 = _sc_kernel(wt, w7, dwb, idx_t)
    out = jnp.transpose(out4, (1, 2, 3, 0))
    return out.reshape(_B, _L, 1)

# --- scband reference (transcript-rebuilt; emitter-appended) ---
"""Pipeline reference for scband-my-model-61933428409596 (READ-ONLY COPY).

The authoritative reference and input builder live on the scoring server;
editing this copy changes nothing except your own understanding.
"""

import jax, jax.numpy as jnp
import numpy as np

def setup_inputs(seed: int = 0) -> dict:
    key = jax.random.key(seed)
    k1, k2, k3, k4 = jax.random.split(key, 4)
    x = jax.random.randint(k1, (16384, 200), 0, 1000, dtype=jnp.int64 if jax.config.jax_enable_x64 else jnp.int32)
    embd_weight = jax.random.normal(k2, (1000, 100), dtype=jnp.float32)
    bound = 1.0 / np.sqrt(100)
    dense_W = jax.random.uniform(k3, (100, 1), dtype=jnp.float32, minval=-bound, maxval=bound)
    dense_b = jax.random.uniform(k4, (1,), dtype=jnp.float32, minval=-bound, maxval=bound)
    return {"x": x, "embd_weight": embd_weight, "dense_W": dense_W, "dense_b": dense_b}

def reference(x, embd_weight, dense_W, dense_b):
    embedded = jnp.take(embd_weight, x, axis=0)  # [B, L, 100]
    out = jnp.dot(embedded, dense_W) + dense_b    # [B, L, 1]
    return out

if __name__ == "__main__":
    import jax
    _d = setup_inputs()
    print(jax.jit(kernel)(*tuple(_d.values())))

</pallas_src>

<mosaic_0001>
#map = affine_map<(d0, d1) -> (0, 0)>
#map1 = affine_map<(d0, d1) -> (0)>
#map2 = affine_map<(d0, d1) -> (0, 0, 0, 0)>
module attributes {stable_mosaic.version = 14 : i64} {
  func.func @_sc_kernel(%arg0: i32, %arg1: i32, %arg2: memref<100x1000xf32, #tpu.memory_space<hbm>>, %arg3: memref<100x128xf32, #tpu.memory_space<hbm>>, %arg4: memref<112xf32, #tpu.memory_space<hbm>>, %arg5: memref<200x16384xi32, #tpu.memory_space<hbm>>, %arg6: memref<200x16x8x128xf32, #tpu.memory_space<hbm>>, %arg7: memref<1024xf32, #tpu.memory_space<vmem>>, %arg8: memref<100x128xf32, #tpu.memory_space<vmem>>, %arg9: memref<112xf32, #tpu.memory_space<vmem>>, %arg10: memref<1024xf32, #tpu.memory_space<vmem_shared>>, %arg11: memref<4x8x512xi32, #tpu.memory_space<vmem>>, %arg12: memref<4x8x4x128xf32, #tpu.memory_space<vmem>>, %arg13: memref<4x!tpu.dma_semaphore, #tpu.memory_space<semaphore_mem>>, %arg14: memref<4x!tpu.dma_semaphore, #tpu.memory_space<semaphore_mem>>) attributes {dimension_semantics = [#tpu.dimension_semantics<core_parallel>, #tpu.dimension_semantics<subcore_parallel>], iteration_bounds = array<i64: 2, 16>, scalar_prefetch = 0 : i64, scratch_operands = 8 : i64, tpu.core_type = #tpu.core_type<sc_vector_subcore>, window_params = [{transform_indices = #map}, {transform_indices = #map}, {transform_indices = #map1}, {transform_indices = #map}, {transform_indices = #map2}]} {
    %mul3A = arith.constant 2 : i32
    %mul3A_0 = arith.muli %arg1, %mul3A : i32
    %add3A = arith.addi %mul3A_0, %arg0 : i32
    %mul3A_1 = arith.constant 512 : i32
    %mul3A_2 = arith.muli %add3A, %mul3A_1 : i32
    %jit3A = arith.constant 2 : i32
    %div3A = arith.divsi %add3A, %jit3A : i32
    %sign3A = arith.constant 0 : i32
    %sign3A_3 = arith.cmpi sgt, %add3A, %sign3A : i32
    %sign3A_4 = arith.extui %sign3A_3 : i1 to i32
    %sign3A_5 = arith.constant 0 : i32
    %sign3A_6 = arith.cmpi slt, %add3A, %sign3A_5 : i32
    %sign3A_7 = arith.extui %sign3A_6 : i1 to i32
    %sign3A_8 = arith.subi %sign3A_4, %sign3A_7 : i32
    %sign3A_9 = arith.constant 0 : i32
    %sign3A_10 = arith.cmpi sgt, %jit3A, %sign3A_9 : i32
    %sign3A_11 = arith.extui %sign3A_10 : i1 to i32
    %sign3A_12 = arith.constant 0 : i32
    %sign3A_13 = arith.cmpi slt, %jit3A, %sign3A_12 : i32
    %sign3A_14 = arith.extui %sign3A_13 : i1 to i32
    %sign3A_15 = arith.subi %sign3A_11, %sign3A_14 : i32
    %ne3A = arith.cmpi ne, %sign3A_8, %sign3A_15 : i32
    %rem3A = arith.remsi %add3A, %jit3A : i32
    %ne3A_16 = arith.constant 0 : i32
    %ne3A_17 = arith.cmpi ne, %rem3A, %ne3A_16 : i32
    %and3A = arith.andi %ne3A, %ne3A_17 : i1
    %sub3A = arith.constant 1 : i32
    %sub3A_18 = arith.subi %div3A, %sub3A : i32
    %select_n3A = arith.select %and3A, %sub3A_18, %div3A : i32
    %jit3A_19 = arith.constant 2 : i32
    %eq3A = arith.constant 0 : i32
    %eq3A_20 = arith.cmpi eq, %jit3A_19, %eq3A : i32
    %jit3A_21 = arith.constant 1 : i32
    %select_n3A_22 = arith.select %eq3A_20, %jit3A_21, %jit3A_19 : i32
    %rem3A_23 = arith.remsi %add3A, %select_n3A_22 : i32
    %ne3A_24 = arith.constant 0 : i32
    %ne3A_25 = arith.cmpi ne, %rem3A_23, %ne3A_24 : i32
    %lt3A = arith.constant 0 : i32
    %lt3A_26 = arith.cmpi slt, %rem3A_23, %lt3A : i32
    %lt3A_27 = arith.constant 0 : i32
    %lt3A_28 = arith.cmpi slt, %select_n3A_22, %lt3A_27 : i32
    %ne3A_29 = arith.xori %lt3A_26, %lt3A_28 : i1
    %and3A_30 = arith.andi %ne3A_29, %ne3A_25 : i1
    %add3A_31 = arith.addi %rem3A_23, %select_n3A_22 : i32
    %select_n3A_32 = arith.select %and3A_30, %add3A_31, %rem3A_23 : i32
    %mul3A_33 = arith.constant 4 : i32
    %mul3A_34 = arith.muli %select_n3A_32, %mul3A_33 : i32
    %dma_start3A = arith.constant 0 : i32
    %dma_start3A_35 = arith.constant 0 : i32
    %dma_start3A_36 = arith.constant 0 : i32
    %dma_start3A_37 = arith.constant 0 : i32
    %dma_start3A_38 = tpu.memref_slice %arg11[%dma_start3A, %dma_start3A_36, %dma_start3A_37] : memref<4x8x512xi32, #tpu.memory_space<vmem>> -> memref<1x8x512xi32, #tpu.memory_space<vmem>>
    %dma_start3A_39 = tpu.memref_squeeze %dma_start3A_38 : memref<1x8x512xi32, #tpu.memory_space<vmem>> -> memref<8x512xi32, #tpu.memory_space<vmem>>
    %dma_start3A_40 = arith.constant 0 : i32
    %dma_start3A_41 = tpu.memref_slice %arg5[%dma_start3A_40, %mul3A_2] : memref<200x16384xi32, #tpu.memory_space<hbm>> -> memref<8x512xi32, #tpu.memory_space<hbm>>
    %dma_start3A_42 = tpu.memref_slice %arg13[%dma_start3A_35] : memref<4x!tpu.dma_semaphore, #tpu.memory_space<semaphore_mem>> -> memref<1x!tpu.dma_semaphore, #tpu.memory_space<semaphore_mem>>
    %dma_start3A_43 = tpu.memref_squeeze %dma_start3A_42 : memref<1x!tpu.dma_semaphore, #tpu.memory_space<semaphore_mem>> -> memref<!tpu.dma_semaphore, #tpu.memory_space<semaphore_mem>>
    %dma_start3A_44 = arith.constant 0 : i32
    %dma_start3A_45 = arith.constant 0 : i32
    %dma_start3A_46 = tpu.memref_slice %arg11[%dma_start3A, %dma_start3A_44, %dma_start3A_45] : memref<4x8x512xi32, #tpu.memory_space<vmem>> -> memref<1x8x512xi32, #tpu.memory_space<vmem>>
    %dma_start3A_47 = tpu.memref_squeeze %dma_start3A_46 : memref<1x8x512xi32, #tpu.memory_space<vmem>> -> memref<8x512xi32, #tpu.memory_space<vmem>>
    %dma_start3A_48 = arith.constant 0 : i32
    %dma_start3A_49 = tpu.memref_slice %arg5[%dma_start3A_48, %mul3A_2] : memref<200x16384xi32, #tpu.memory_space<hbm>> -> memref<8x512xi32, #tpu.memory_space<hbm>>
    tpu.enqueue_dma source(%dma_start3A_49 : memref<8x512xi32, #tpu.memory_space<hbm>>) target(%dma_start3A_47 : memref<8x512xi32, #tpu.memory_space<vmem>>) target_semaphore(%dma_start3A_43 : memref<!tpu.dma_semaphore, #tpu.memory_space<semaphore_mem>>)
    %dma_start3A_50 = arith.constant 1 : i32
    %dma_start3A_51 = arith.constant 1 : i32
    %dma_start3A_52 = arith.constant 0 : i32
    %dma_start3A_53 = arith.constant 0 : i32
    %dma_start3A_54 = tpu.memref_slice %arg11[%dma_start3A_50, %dma_start3A_52, %dma_start3A_53] : memref<4x8x512xi32, #tpu.memory_space<vmem>> -> memref<1x8x512xi32, #tpu.memory_space<vmem>>
    %dma_start3A_55 = tpu.memref_squeeze %dma_start3A_54 : memref<1x8x512xi32, #tpu.memory_space<vmem>> -> memref<8x512xi32, #tpu.memory_space<vmem>>
    %dma_start3A_56 = arith.constant 8 : i32
    %dma_start3A_57 = tpu.memref_slice %arg5[%dma_start3A_56, %mul3A_2] : memref<200x16384xi32, #tpu.memory_space<hbm>> -> memref<8x512xi32, #tpu.memory_space<hbm>>
    %dma_start3A_58 = tpu.memref_slice %arg13[%dma_start3A_51] : memref<4x!tpu.dma_semaphore, #tpu.memory_space<semaphore_mem>> -> memref<1x!tpu.dma_semaphore, #tpu.memory_space<semaphore_mem>>
    %dma_start3A_59 = tpu.memref_squeeze %dma_start3A_58 : memref<1x!tpu.dma_semaphore, #tpu.memory_space<semaphore_mem>> -> memref<!tpu.dma_semaphore, #tpu.memory_space<semaphore_mem>>
    %dma_start3A_60 = arith.constant 0 : i32
    %dma_start3A_61 = arith.constant 0 : i32
    %dma_start3A_62 = tpu.memref_slice %arg11[%dma_start3A_50, %dma_start3A_60, %dma_start3A_61] : memref<4x8x512xi32, #tpu.memory_space<vmem>> -> memref<1x8x512xi32, #tpu.memory_space<vmem>>
    %dma_start3A_63 = tpu.memref_squeeze %dma_start3A_62 : memref<1x8x512xi32, #tpu.memory_space<vmem>> -> memref<8x512xi32, #tpu.memory_space<vmem>>
    %dma_start3A_64 = arith.constant 8 : i32
    %dma_start3A_65 = tpu.memref_slice %arg5[%dma_start3A_64, %mul3A_2] : memref<200x16384xi32, #tpu.memory_space<hbm>> -> memref<8x512xi32, #tpu.memory_space<hbm>>
    tpu.enqueue_dma source(%dma_start3A_65 : memref<8x512xi32, #tpu.memory_space<hbm>>) target(%dma_start3A_63 : memref<8x512xi32, #tpu.memory_space<vmem>>) target_semaphore(%dma_start3A_59 : memref<!tpu.dma_semaphore, #tpu.memory_space<semaphore_mem>>)
    %dma_start3A_66 = arith.constant 2 : i32
    %dma_start3A_67 = arith.constant 2 : i32
    %dma_start3A_68 = arith.constant 0 : i32
    %dma_start3A_69 = arith.constant 0 : i32
    %dma_start3A_70 = tpu.memref_slice %arg11[%dma_start3A_66, %dma_start3A_68, %dma_start3A_69] : memref<4x8x512xi32, #tpu.memory_space<vmem>> -> memref<1x8x512xi32, #tpu.memory_space<vmem>>
    %dma_start3A_71 = tpu.memref_squeeze %dma_start3A_70 : memref<1x8x512xi32, #tpu.memory_space<vmem>> -> memref<8x512xi32, #tpu.memory_space<vmem>>
    %dma_start3A_72 = arith.constant 16 : i32
    %dma_start3A_73 = tpu.memref_slice %arg5[%dma_start3A_72, %mul3A_2] : memref<200x16384xi32, #tpu.memory_space<hbm>> -> memref<8x512xi32, #tpu.memory_space<hbm>>
    %dma_start3A_74 = tpu.memref_slice %arg13[%dma_start3A_67] : memref<4x!tpu.dma_semaphore, #tpu.memory_space<semaphore_mem>> -> memref<1x!tpu.dma_semaphore, #tpu.memory_space<semaphore_mem>>
    %dma_start3A_75 = tpu.memref_squeeze %dma_start3A_74 : memref<1x!tpu.dma_semaphore, #tpu.memory_space<semaphore_mem>> -> memref<!tpu.dma_semaphore, #tpu.memory_space<semaphore_mem>>
    %dma_start3A_76 = arith.constant 0 : i32
    %dma_start3A_77 = arith.constant 0 : i32
    %dma_start3A_78 = tpu.memref_slice %arg11[%dma_start3A_66, %dma_start3A_76, %dma_start3A_77] : memref<4x8x512xi32, #tpu.memory_space<vmem>> -> memref<1x8x512xi32, #tpu.memory_space<vmem>>
    %dma_start3A_79 = tpu.memref_squeeze %dma_start3A_78 : memref<1x8x512xi32, #tpu.memory_space<vmem>> -> memref<8x512xi32, #tpu.memory_space<vmem>>
    %dma_start3A_80 = arith.constant 16 : i32
    %dma_start3A_81 = tpu.memref_slice %arg5[%dma_start3A_80, %mul3A_2] : memref<200x16384xi32, #tpu.memory_space<hbm>> -> memref<8x512xi32, #tpu.memory_space<hbm>>
    tpu.enqueue_dma source(%dma_start3A_81 : memref<8x512xi32, #tpu.memory_space<hbm>>) target(%dma_start3A_79 : memref<8x512xi32, #tpu.memory_space<vmem>>) target_semaphore(%dma_start3A_75 : memref<!tpu.dma_semaphore, #tpu.memory_space<semaphore_mem>>)
    %dma_start3A_82 = arith.constant 3 : i32
    %dma_start3A_83 = arith.constant 3 : i32
    %dma_start3A_84 = arith.constant 0 : i32
    %dma_start3A_85 = arith.constant 0 : i32
    %dma_start3A_86 = tpu.memref_slice %arg11[%dma_start3A_82, %dma_start3A_84, %dma_start3A_85] : memref<4x8x512xi32, #tpu.memory_space<vmem>> -> memref<1x8x512xi32, #tpu.memory_space<vmem>>
    %dma_start3A_87 = tpu.memref_squeeze %dma_start3A_86 : memref<1x8x512xi32, #tpu.memory_space<vmem>> -> memref<8x512xi32, #tpu.memory_space<vmem>>
    %dma_start3A_88 = arith.constant 24 : i32
    %dma_start3A_89 = tpu.memref_slice %arg5[%dma_start3A_88, %mul3A_2] : memref<200x16384xi32, #tpu.memory_space<hbm>> -> memref<8x512xi32, #tpu.memory_space<hbm>>
    %dma_start3A_90 = tpu.memref_slice %arg13[%dma_start3A_83] : memref<4x!tpu.dma_semaphore, #tpu.memory_space<semaphore_mem>> -> memref<1x!tpu.dma_semaphore, #tpu.memory_space<semaphore_mem>>
    %dma_start3A_91 = tpu.memref_squeeze %dma_start3A_90 : memref<1x!tpu.dma_semaphore, #tpu.memory_space<semaphore_mem>> -> memref<!tpu.dma_semaphore, #tpu.memory_space<semaphore_mem>>
    %dma_start3A_92 = arith.constant 0 : i32
    %dma_start3A_93 = arith.constant 0 : i32
    %dma_start3A_94 = tpu.memref_slice %arg11[%dma_start3A_82, %dma_start3A_92, %dma_start3A_93] : memref<4x8x512xi32, #tpu.memory_space<vmem>> -> memref<1x8x512xi32, #tpu.memory_space<vmem>>
    %dma_start3A_95 = tpu.memref_squeeze %dma_start3A_94 : memref<1x8x512xi32, #tpu.memory_space<vmem>> -> memref<8x512xi32, #tpu.memory_space<vmem>>
    %dma_start3A_96 = arith.constant 24 : i32
    %dma_start3A_97 = tpu.memref_slice %arg5[%dma_start3A_96, %mul3A_2] : memref<200x16384xi32, #tpu.memory_space<hbm>> -> memref<8x512xi32, #tpu.memory_space<hbm>>
    tpu.enqueue_dma source(%dma_start3A_97 : memref<8x512xi32, #tpu.memory_space<hbm>>) target(%dma_start3A_95 : memref<8x512xi32, #tpu.memory_space<vmem>>) target_semaphore(%dma_start3A_91 : memref<!tpu.dma_semaphore, #tpu.memory_space<semaphore_mem>>)
    "tpu.region"() ({
      %run_scoped3A = tpu.sem_alloc : memref<!tpu.dma_semaphore, #tpu.memory_space<semaphore_mem>>
      tpu.enqueue_dma source(%arg4 : memref<112xf32, #tpu.memory_space<hbm>>) target(%arg9 : memref<112xf32, #tpu.memory_space<vmem>>) target_semaphore(%run_scoped3A : memref<!tpu.dma_semaphore, #tpu.memory_space<semaphore_mem>>)
      tpu.wait_dma2 semaphore(%run_scoped3A : memref<!tpu.dma_semaphore, #tpu.memory_space<semaphore_mem>>) src(%arg4 : memref<112xf32, #tpu.memory_space<hbm>>) dst(%arg9 : memref<112xf32, #tpu.memory_space<vmem>>)
      tpu.yield
    }) : () -> ()
    %lt3A_98 = arith.constant 8 : i32
    %lt3A_99 = arith.cmpi slt, %arg1, %lt3A_98 : i32
    %convert_element_type3A = arith.extui %lt3A_99 : i1 to i32
    %cond3A = arith.constant 0 : i32
    %cond3A_100 = arith.cmpi ne, %convert_element_type3A, %cond3A : i32
    scf.if %cond3A_100 {
      %mul3A_193 = arith.constant 128 : i32
      %mul3A_194 = arith.muli %arg1, %mul3A_193 : i32
      %lt3A_195 = arith.constant 7 : i32
      %lt3A_196 = arith.cmpi slt, %arg1, %lt3A_195 : i32
      %convert_element_type3A_197 = arith.extui %lt3A_196 : i1 to i32
      %cond3A_198 = arith.constant 0 : i32
      %cond3A_199 = arith.cmpi ne, %convert_element_type3A_197, %cond3A_198 : i32
      scf.if %cond3A_199 {
        "tpu.region"() ({
          %run_scoped3A = tpu.sem_alloc : memref<!tpu.dma_semaphore, #tpu.memory_space<semaphore_mem>>
          %dma_start3A_227 = arith.constant 0 : i32
          %dma_start3A_228 = tpu.memref_slice %arg2[%dma_start3A_227, %mul3A_194] : memref<100x1000xf32, #tpu.memory_space<hbm>> -> memref<100x128xf32, #tpu.memory_space<hbm>>
          %dma_start3A_229 = arith.constant 0 : i32
          %dma_start3A_230 = tpu.memref_slice %arg2[%dma_start3A_229, %mul3A_194] : memref<100x1000xf32, #tpu.memory_space<hbm>> -> memref<100x128xf32, #tpu.memory_space<hbm>>
          tpu.enqueue_dma source(%dma_start3A_230 : memref<100x128xf32, #tpu.memory_space<hbm>>) target(%arg8 : memref<100x128xf32, #tpu.memory_space<vmem>>) target_semaphore(%run_scoped3A : memref<!tpu.dma_semaphore, #tpu.memory_space<semaphore_mem>>)
          %dma_wait3A_231 = arith.constant 0 : i32
          %dma_wait3A_232 = tpu.memref_slice %arg2[%dma_wait3A_231, %mul3A_194] : memref<100x1000xf32, #tpu.memory_space<hbm>> -> memref<100x128xf32, #tpu.memory_space<hbm>>
          %dma_wait3A_233 = arith.constant 0 : i32
          %dma_wait3A_234 = tpu.memref_slice %arg2[%dma_wait3A_233, %mul3A_194] : memref<100x1000xf32, #tpu.memory_space<hbm>> -> memref<100x128xf32, #tpu.memory_space<hbm>>
          tpu.wait_dma2 semaphore(%run_scoped3A : memref<!tpu.dma_semaphore, #tpu.memory_space<semaphore_mem>>) src(%dma_wait3A_234 : memref<100x128xf32, #tpu.memory_space<hbm>>) dst(%arg8 : memref<100x128xf32, #tpu.memory_space<vmem>>)
          tpu.yield
        }) : () -> ()
      } else {
      }
      %eq3A_200 = arith.constant 7 : i32
      %eq3A_201 = arith.cmpi eq, %arg1, %eq3A_200 : i32
      %convert_element_type3A_202 = arith.extui %eq3A_201 : i1 to i32
      %cond3A_203 = arith.constant 0 : i32
      %cond3A_204 = arith.cmpi ne, %convert_element_type3A_202, %cond3A_203 : i32
      scf.if %cond3A_204 {
        "tpu.region"() ({
          %run_scoped3A = tpu.sem_alloc : memref<!tpu.dma_semaphore, #tpu.memory_space<semaphore_mem>>
          tpu.enqueue_dma source(%arg3 : memref<100x128xf32, #tpu.memory_space<hbm>>) target(%arg8 : memref<100x128xf32, #tpu.memory_space<vmem>>) target_semaphore(%run_scoped3A : memref<!tpu.dma_semaphore, #tpu.memory_space<semaphore_mem>>)
          tpu.wait_dma2 semaphore(%run_scoped3A : memref<!tpu.dma_semaphore, #tpu.memory_space<semaphore_mem>>) src(%arg3 : memref<100x128xf32, #tpu.memory_space<hbm>>) dst(%arg8 : memref<100x128xf32, #tpu.memory_space<vmem>>)
          tpu.yield
        }) : () -> ()
      } else {
      }
      %broadcast_in_dim3A = arith.constant 100 : i32
      %broadcast_in_dim3A_205 = vector.broadcast %broadcast_in_dim3A : i32 to vector<16xi32>
      %gather3A = tpu.vector_load_idx %arg9[%broadcast_in_dim3A_205] : memref<112xf32, #tpu.memory_space<vmem>>[vector<16xi32>], vector<16xf32>,
      %scan3A_206 = arith.constant 0 : i32
      %scan3A_207 = arith.constant 100 : i32
      %scan3A_208 = arith.addi %scan3A_206, %scan3A_207 : i32
      %scan3A_209 = arith.constant 2 : i32
      %scan3A_210:8 = scf.for %scan3A_227 = %scan3A_206 to %scan3A_208 step %scan3A_209 iter_args(%scan3A_228 = %gather3A, %scan3A_229 = %gather3A, %scan3A_230 = %gather3A, %scan3A_231 = %gather3A, %scan3A_232 = %gather3A, %scan3A_233 = %gather3A, %scan3A_234 = %gather3A, %scan3A_235 = %gather3A) -> (vector<16xf32>, vector<16xf32>, vector<16xf32>, vector<16xf32>, vector<16xf32>, vector<16xf32>, vector<16xf32>, vector<16xf32>)  : i32 {
        %broadcast_in_dim3A_236 = vector.broadcast %scan3A_227 : i32 to vector<16xi32>
        %gather3A_237 = tpu.vector_load_idx %arg9[%broadcast_in_dim3A_236] : memref<112xf32, #tpu.memory_space<vmem>>[vector<16xi32>], vector<16xf32>,
        %get3A = arith.index_cast %scan3A_227 : i32 to index
        %get3A_238 = arith.constant 0 : index
        %get3A_239 = tpu.vector_load %arg8[%get3A, %get3A_238] {strides = array<i32>} : memref<100x128xf32, #tpu.memory_space<vmem>>, vector<16xf32>,
        %mul3A_240 = arith.mulf %get3A_239, %gather3A_237 : vector<16xf32>
        %add3A_241 = arith.addf %scan3A_228, %mul3A_240 : vector<16xf32>
        %get3A_242 = arith.index_cast %scan3A_227 : i32 to index
        %get3A_243 = arith.constant 16 : index
        %get3A_244 = tpu.vector_load %arg8[%get3A_242, %get3A_243] {strides = array<i32>} : memref<100x128xf32, #tpu.memory_space<vmem>>, vector<16xf32>,
        %mul3A_245 = arith.mulf %get3A_244, %gather3A_237 : vector<16xf32>
        %add3A_246 = arith.addf %scan3A_229, %mul3A_245 : vector<16xf32>
        %get3A_247 = arith.index_cast %scan3A_227 : i32 to index
        %get3A_248 = arith.constant 32 : index
        %get3A_249 = tpu.vector_load %arg8[%get3A_247, %get3A_248] {strides = array<i32>} : memref<100x128xf32, #tpu.memory_space<vmem>>, vector<16xf32>,
        %mul3A_250 = arith.mulf %get3A_249, %gather3A_237 : vector<16xf32>
        %add3A_251 = arith.addf %scan3A_230, %mul3A_250 : vector<16xf32>
        %get3A_252 = arith.index_cast %scan3A_227 : i32 to index
        %get3A_253 = arith.constant 48 : index
        %get3A_254 = tpu.vector_load %arg8[%get3A_252, %get3A_253] {strides = array<i32>} : memref<100x128xf32, #tpu.memory_space<vmem>>, vector<16xf32>,
        %mul3A_255 = arith.mulf %get3A_254, %gather3A_237 : vector<16xf32>
        %add3A_256 = arith.addf %scan3A_231, %mul3A_255 : vector<16xf32>
        %get3A_257 = arith.index_cast %scan3A_227 : i32 to index
        %get3A_258 = arith.constant 64 : index
        %get3A_259 = tpu.vector_load %arg8[%get3A_257, %get3A_258] {strides = array<i32>} : memref<100x128xf32, #tpu.memory_space<vmem>>, vector<16xf32>,
        %mul3A_260 = arith.mulf %get3A_259, %gather3A_237 : vector<16xf32>
        %add3A_261 = arith.addf %scan3A_232, %mul3A_260 : vector<16xf32>
        %get3A_262 = arith.index_cast %scan3A_227 : i32 to index
        %get3A_263 = arith.constant 80 : index
        %get3A_264 = tpu.vector_load %arg8[%get3A_262, %get3A_263] {strides = array<i32>} : memref<100x128xf32, #tpu.memory_space<vmem>>, vector<16xf32>,
        %mul3A_265 = arith.mulf %get3A_264, %gather3A_237 : vector<16xf32>
        %add3A_266 = arith.addf %scan3A_233, %mul3A_265 : vector<16xf32>
        %get3A_267 = arith.index_cast %scan3A_227 : i32 to index
        %get3A_268 = arith.constant 96 : index
        %get3A_269 = tpu.vector_load %arg8[%get3A_267, %get3A_268] {strides = array<i32>} : memref<100x128xf32, #tpu.memory_space<vmem>>, vector<16xf32>,
        %mul3A_270 = arith.mulf %get3A_269, %gather3A_237 : vector<16xf32>
        %add3A_271 = arith.addf %scan3A_234, %mul3A_270 : vector<16xf32>
        %get3A_272 = arith.index_cast %scan3A_227 : i32 to index
        %get3A_273 = arith.constant 112 : index
        %get3A_274 = tpu.vector_load %arg8[%get3A_272, %get3A_273] {strides = array<i32>} : memref<100x128xf32, #tpu.memory_space<vmem>>, vector<16xf32>,
        %mul3A_275 = arith.mulf %get3A_274, %gather3A_237 : vector<16xf32>
        %add3A_276 = arith.addf %scan3A_235, %mul3A_275 : vector<16xf32>
        %scan3A_277 = arith.constant 1 : i32
        %scan3A_278 = arith.addi %scan3A_227, %scan3A_277 : i32
        %broadcast_in_dim3A_279 = vector.broadcast %scan3A_278 : i32 to vector<16xi32>
        %gather3A_280 = tpu.vector_load_idx %arg9[%broadcast_in_dim3A_279] : memref<112xf32, #tpu.memory_space<vmem>>[vector<16xi32>], vector<16xf32>,
        %get3A_281 = arith.index_cast %scan3A_278 : i32 to index
        %get3A_282 = arith.constant 0 : index
        %get3A_283 = tpu.vector_load %arg8[%get3A_281, %get3A_282] {strides = array<i32>} : memref<100x128xf32, #tpu.memory_space<vmem>>, vector<16xf32>,
        %mul3A_284 = arith.mulf %get3A_283, %gather3A_280 : vector<16xf32>
        %add3A_285 = arith.addf %add3A_241, %mul3A_284 : vector<16xf32>
        %get3A_286 = arith.index_cast %scan3A_278 : i32 to index
        %get3A_287 = arith.constant 16 : index
        %get3A_288 = tpu.vector_load %arg8[%get3A_286, %get3A_287] {strides = array<i32>} : memref<100x128xf32, #tpu.memory_space<vmem>>, vector<16xf32>,
        %mul3A_289 = arith.mulf %get3A_288, %gather3A_280 : vector<16xf32>
        %add3A_290 = arith.addf %add3A_246, %mul3A_289 : vector<16xf32>
        %get3A_291 = arith.index_cast %scan3A_278 : i32 to index
        %get3A_292 = arith.constant 32 : index
        %get3A_293 = tpu.vector_load %arg8[%get3A_291, %get3A_292] {strides = array<i32>} : memref<100x128xf32, #tpu.memory_space<vmem>>, vector<16xf32>,
        %mul3A_294 = arith.mulf %get3A_293, %gather3A_280 : vector<16xf32>
        %add3A_295 = arith.addf %add3A_251, %mul3A_294 : vector<16xf32>
        %get3A_296 = arith.index_cast %scan3A_278 : i32 to index
        %get3A_297 = arith.constant 48 : index
        %get3A_298 = tpu.vector_load %arg8[%get3A_296, %get3A_297] {strides = array<i32>} : memref<100x128xf32, #tpu.memory_space<vmem>>, vector<16xf32>,
        %mul3A_299 = arith.mulf %get3A_298, %gather3A_280 : vector<16xf32>
        %add3A_300 = arith.addf %add3A_256, %mul3A_299 : vector<16xf32>
        %get3A_301 = arith.index_cast %scan3A_278 : i32 to index
        %get3A_302 = arith.constant 64 : index
        %get3A_303 = tpu.vector_load %arg8[%get3A_301, %get3A_302] {strides = array<i32>} : memref<100x128xf32, #tpu.memory_space<vmem>>, vector<16xf32>,
        %mul3A_304 = arith.mulf %get3A_303, %gather3A_280 : vector<16xf32>
        %add3A_305 = arith.addf %add3A_261, %mul3A_304 : vector<16xf32>
        %get3A_306 = arith.index_cast %scan3A_278 : i32 to index
        %get3A_307 = arith.constant 80 : index
        %get3A_308 = tpu.vector_load %arg8[%get3A_306, %get3A_307] {strides = array<i32>} : memref<100x128xf32, #tpu.memory_space<vmem>>, vector<16xf32>,
        %mul3A_309 = arith.mulf %get3A_308, %gather3A_280 : vector<16xf32>
        %add3A_310 = arith.addf %add3A_266, %mul3A_309 : vector<16xf32>
        %get3A_311 = arith.index_cast %scan3A_278 : i32 to index
        %get3A_312 = arith.constant 96 : index
        %get3A_313 = tpu.vector_load %arg8[%get3A_311, %get3A_312] {strides = array<i32>} : memref<100x128xf32, #tpu.memory_space<vmem>>, vector<16xf32>,
        %mul3A_314 = arith.mulf %get3A_313, %gather3A_280 : vector<16xf32>
        %add3A_315 = arith.addf %add3A_271, %mul3A_314 : vector<16xf32>
        %get3A_316 = arith.index_cast %scan3A_278 : i32 to index
        %get3A_317 = arith.constant 112 : index
        %get3A_318 = tpu.vector_load %arg8[%get3A_316, %get3A_317] {strides = array<i32>} : memref<100x128xf32, #tpu.memory_space<vmem>>, vector<16xf32>,
        %mul3A_319 = arith.mulf %get3A_318, %gather3A_280 : vector<16xf32>
        %add3A_320 = arith.addf %add3A_276, %mul3A_319 : vector<16xf32>
        scf.yield %add3A_285, %add3A_290, %add3A_295, %add3A_300, %add3A_305, %add3A_310, %add3A_315, %add3A_320 : vector<16xf32>, vector<16xf32>, vector<16xf32>, vector<16xf32>, vector<16xf32>, vector<16xf32>, vector<16xf32>, vector<16xf32>
      }
      %scan3A_211 = arith.constant 100 : i32
      %swap3A = arith.constant 0 : index
      %swap3A_212 = tpu.vector_load %arg7[%swap3A] {strides = array<i32>} : memref<1024xf32, #tpu.memory_space<vmem>>, vector<16xf32>,
      tpu.vector_store %arg7[%swap3A], %scan3A_210#0 {strides = array<i32>} : memref<1024xf32, #tpu.memory_space<vmem>>, vector<16xf32>,
      %swap3A_213 = arith.constant 16 : index
      %swap3A_214 = tpu.vector_load %arg7[%swap3A_213] {strides = array<i32>} : memref<1024xf32, #tpu.memory_space<vmem>>, vector<16xf32>,
      tpu.vector_store %arg7[%swap3A_213], %scan3A_210#1 {strides = array<i32>} : memref<1024xf32, #tpu.memory_space<vmem>>, vector<16xf32>,
      %swap3A_215 = arith.constant 32 : index
      %swap3A_216 = tpu.vector_load %arg7[%swap3A_215] {strides = array<i32>} : memref<1024xf32, #tpu.memory_space<vmem>>, vector<16xf32>,
      tpu.vector_store %arg7[%swap3A_215], %scan3A_210#2 {strides = array<i32>} : memref<1024xf32, #tpu.memory_space<vmem>>, vector<16xf32>,
      %swap3A_217 = arith.constant 48 : index
      %swap3A_218 = tpu.vector_load %arg7[%swap3A_217] {strides = array<i32>} : memref<1024xf32, #tpu.memory_space<vmem>>, vector<16xf32>,
      tpu.vector_store %arg7[%swap3A_217], %scan3A_210#3 {strides = array<i32>} : memref<1024xf32, #tpu.memory_space<vmem>>, vector<16xf32>,
      %swap3A_219 = arith.constant 64 : index
      %swap3A_220 = tpu.vector_load %arg7[%swap3A_219] {strides = array<i32>} : memref<1024xf32, #tpu.memory_space<vmem>>, vector<16xf32>,
      tpu.vector_store %arg7[%swap3A_219], %scan3A_210#4 {strides = array<i32>} : memref<1024xf32, #tpu.memory_space<vmem>>, vector<16xf32>,
      %swap3A_221 = arith.constant 80 : index
      %swap3A_222 = tpu.vector_load %arg7[%swap3A_221] {strides = array<i32>} : memref<1024xf32, #tpu.memory_space<vmem>>, vector<16xf32>,
      tpu.vector_store %arg7[%swap3A_221], %scan3A_210#5 {strides = array<i32>} : memref<1024xf32, #tpu.memory_space<vmem>>, vector<16xf32>,
      %swap3A_223 = arith.constant 96 : index
      %swap3A_224 = tpu.vector_load %arg7[%swap3A_223] {strides = array<i32>} : memref<1024xf32, #tpu.memory_space<vmem>>, vector<16xf32>,
      tpu.vector_store %arg7[%swap3A_223], %scan3A_210#6 {strides = array<i32>} : memref<1024xf32, #tpu.memory_space<vmem>>, vector<16xf32>,
      %swap3A_225 = arith.constant 112 : index
      %swap3A_226 = tpu.vector_load %arg7[%swap3A_225] {strides = array<i32>} : memref<1024xf32, #tpu.memory_space<vmem>>, vector<16xf32>,
      tpu.vector_store %arg7[%swap3A_225], %scan3A_210#7 {strides = array<i32>} : memref<1024xf32, #tpu.memory_space<vmem>>, vector<16xf32>,
      "tpu.region"() ({
        %run_scoped3A = tpu.sem_alloc : memref<!tpu.dma_semaphore, #tpu.memory_space<semaphore_mem>>
        %dma_start3A_227 = arith.constant 0 : i32
        %dma_start3A_228 = tpu.memref_slice %arg7[%dma_start3A_227] : memref<1024xf32, #tpu.memory_space<vmem>> -> memref<128xf32, #tpu.memory_space<vmem>>
        %dma_start3A_229 = tpu.memref_slice %arg10[%mul3A_194] : memref<1024xf32, #tpu.memory_space<vmem_shared>> -> memref<128xf32, #tpu.memory_space<vmem_shared>>
        %dma_start3A_230 = tpu.memref_slice %arg10[%mul3A_194] : memref<1024xf32, #tpu.memory_space<vmem_shared>> -> memref<128xf32, #tpu.memory_space<vmem_shared>>
        %dma_start3A_231 = arith.constant 0 : i32
        %dma_start3A_232 = tpu.memref_slice %arg7[%dma_start3A_231] : memref<1024xf32, #tpu.memory_space<vmem>> -> memref<128xf32, #tpu.memory_space<vmem>>
        tpu.enqueue_dma source(%dma_start3A_232 : memref<128xf32, #tpu.memory_space<vmem>>) target(%dma_start3A_230 : memref<128xf32, #tpu.memory_space<vmem_shared>>) target_semaphore(%run_scoped3A : memref<!tpu.dma_semaphore, #tpu.memory_space<semaphore_mem>>)
        %dma_wait3A_233 = arith.constant 0 : i32
        %dma_wait3A_234 = tpu.memref_slice %arg7[%dma_wait3A_233] : memref<1024xf32, #tpu.memory_space<vmem>> -> memref<128xf32, #tpu.memory_space<vmem>>
        %dma_wait3A_235 = tpu.memref_slice %arg10[%mul3A_194] : memref<1024xf32, #tpu.memory_space<vmem_shared>> -> memref<128xf32, #tpu.memory_space<vmem_shared>>
        %dma_wait3A_236 = tpu.memref_slice %arg10[%mul3A_194] : memref<1024xf32, #tpu.memory_space<vmem_shared>> -> memref<128xf32, #tpu.memory_space<vmem_shared>>
        %dma_wait3A_237 = arith.constant 0 : i32
        %dma_wait3A_238 = tpu.memref_slice %arg7[%dma_wait3A_237] : memref<1024xf32, #tpu.memory_space<vmem>> -> memref<128xf32, #tpu.memory_space<vmem>>
        tpu.wait_dma2 semaphore(%run_scoped3A : memref<!tpu.dma_semaphore, #tpu.memory_space<semaphore_mem>>) src(%dma_wait3A_238 : memref<128xf32, #tpu.memory_space<vmem>>) dst(%dma_wait3A_236 : memref<128xf32, #tpu.memory_space<vmem_shared>>)
        tpu.yield
      }) : () -> ()
    } else {
    }
    %barrier3A = arith.constant 0 : index
    tpu.barrier barrier_id(%barrier3A)
    "tpu.region"() ({
      %run_scoped3A = tpu.sem_alloc : memref<!tpu.dma_semaphore, #tpu.memory_space<semaphore_mem>>
      tpu.enqueue_dma source(%arg10 : memref<1024xf32, #tpu.memory_space<vmem_shared>>) target(%arg7 : memref<1024xf32, #tpu.memory_space<vmem>>) target_semaphore(%run_scoped3A : memref<!tpu.dma_semaphore, #tpu.memory_space<semaphore_mem>>)
      tpu.wait_dma2 semaphore(%run_scoped3A : memref<!tpu.dma_semaphore, #tpu.memory_space<semaphore_mem>>) src(%arg10 : memref<1024xf32, #tpu.memory_space<vmem_shared>>) dst(%arg7 : memref<1024xf32, #tpu.memory_space<vmem>>)
      tpu.yield
    }) : () -> ()
    %scan3A = arith.constant 0 : i32
    %scan3A_101 = arith.constant 0 : i32
    %scan3A_102 = arith.constant 25 : i32
    %scan3A_103 = arith.addi %scan3A_101, %scan3A_102 : i32
    %scan3A_104 = arith.constant 1 : i32
    scf.for %scan3A_193 = %scan3A_101 to %scan3A_103 step %scan3A_104  : i32 {
      %rem3A_194 = arith.constant 4 : i32
      %rem3A_195 = arith.remsi %scan3A_193, %rem3A_194 : i32
      %mul3A_196 = arith.constant 8 : i32
      %mul3A_197 = arith.muli %scan3A_193, %mul3A_196 : i32
      %dma_wait3A_198 = arith.constant 0 : i32
      %dma_wait3A_199 = arith.constant 0 : i32
      %dma_wait3A_200 = tpu.memref_slice %arg11[%rem3A_195, %dma_wait3A_198, %dma_wait3A_199] : memref<4x8x512xi32, #tpu.memory_space<vmem>> -> memref<1x8x512xi32, #tpu.memory_space<vmem>>
      %dma_wait3A_201 = tpu.memref_squeeze %dma_wait3A_200 : memref<1x8x512xi32, #tpu.memory_space<vmem>> -> memref<8x512xi32, #tpu.memory_space<vmem>>
      %dma_wait3A_202 = tpu.memref_slice %arg5[%mul3A_197, %mul3A_2] : memref<200x16384xi32, #tpu.memory_space<hbm>> -> memref<8x512xi32, #tpu.memory_space<hbm>>
      %dma_wait3A_203 = tpu.memref_slice %arg13[%rem3A_195] : memref<4x!tpu.dma_semaphore, #tpu.memory_space<semaphore_mem>> -> memref<1x!tpu.dma_semaphore, #tpu.memory_space<semaphore_mem>>
      %dma_wait3A_204 = tpu.memref_squeeze %dma_wait3A_203 : memref<1x!tpu.dma_semaphore, #tpu.memory_space<semaphore_mem>> -> memref<!tpu.dma_semaphore, #tpu.memory_space<semaphore_mem>>
      %dma_wait3A_205 = arith.constant 0 : i32
      %dma_wait3A_206 = arith.constant 0 : i32
      %dma_wait3A_207 = tpu.memref_slice %arg11[%rem3A_195, %dma_wait3A_205, %dma_wait3A_206] : memref<4x8x512xi32, #tpu.memory_space<vmem>> -> memref<1x8x512xi32, #tpu.memory_space<vmem>>
      %dma_wait3A_208 = tpu.memref_squeeze %dma_wait3A_207 : memref<1x8x512xi32, #tpu.memory_space<vmem>> -> memref<8x512xi32, #tpu.memory_space<vmem>>
      %dma_wait3A_209 = tpu.memref_slice %arg5[%mul3A_197, %mul3A_2] : memref<200x16384xi32, #tpu.memory_space<hbm>> -> memref<8x512xi32, #tpu.memory_space<hbm>>
      tpu.wait_dma2 semaphore(%dma_wait3A_204 : memref<!tpu.dma_semaphore, #tpu.memory_space<semaphore_mem>>) src(%dma_wait3A_209 : memref<8x512xi32, #tpu.memory_space<hbm>>) dst(%dma_wait3A_208 : memref<8x512xi32, #tpu.memory_space<vmem>>)
      %ge3A = arith.constant 4 : i32
      %ge3A_210 = arith.cmpi sge, %scan3A_193, %ge3A : i32
      %convert_element_type3A_211 = arith.extui %ge3A_210 : i1 to i32
      %cond3A_212 = arith.constant 0 : i32
      %cond3A_213 = arith.cmpi ne, %convert_element_type3A_211, %cond3A_212 : i32
      scf.if %cond3A_213 {
        %sub3A_243 = arith.constant 4 : i32
        %sub3A_244 = arith.subi %scan3A_193, %sub3A_243 : i32
        %mul3A_245 = arith.constant 8 : i32
        %mul3A_246 = arith.muli %sub3A_244, %mul3A_245 : i32
        %dma_wait3A_247 = arith.constant 0 : i32
        %dma_wait3A_248 = arith.constant 0 : i32
        %dma_wait3A_249 = arith.constant 0 : i32
        %dma_wait3A_250 = tpu.memref_slice %arg12[%rem3A_195, %dma_wait3A_247, %dma_wait3A_248, %dma_wait3A_249] : memref<4x8x4x128xf32, #tpu.memory_space<vmem>> -> memref<1x8x4x128xf32, #tpu.memory_space<vmem>>
        %dma_wait3A_251 = tpu.memref_squeeze %dma_wait3A_250 : memref<1x8x4x128xf32, #tpu.memory_space<vmem>> -> memref<8x4x128xf32, #tpu.memory_space<vmem>>
        %dma_wait3A_252 = arith.constant 0 : i32
        %dma_wait3A_253 = tpu.memref_slice %arg6[%mul3A_246, %select_n3A, %mul3A_34, %dma_wait3A_252] : memref<200x16x8x128xf32, #tpu.memory_space<hbm>> -> memref<8x1x4x128xf32, #tpu.memory_space<hbm>>
        %dma_wait3A_254 = tpu.memref_squeeze %dma_wait3A_253 : memref<8x1x4x128xf32, #tpu.memory_space<hbm>> -> memref<8x4x128xf32, #tpu.memory_space<hbm>>
        %dma_wait3A_255 = tpu.memref_slice %arg14[%rem3A_195] : memref<4x!tpu.dma_semaphore, #tpu.memory_space<semaphore_mem>> -> memref<1x!tpu.dma_semaphore, #tpu.memory_space<semaphore_mem>>
        %dma_wait3A_256 = tpu.memref_squeeze %dma_wait3A_255 : memref<1x!tpu.dma_semaphore, #tpu.memory_space<semaphore_mem>> -> memref<!tpu.dma_semaphore, #tpu.memory_space<semaphore_mem>>
        %dma_wait3A_257 = arith.constant 0 : i32
        %dma_wait3A_258 = tpu.memref_slice %arg6[%mul3A_246, %select_n3A, %mul3A_34, %dma_wait3A_257] : memref<200x16x8x128xf32, #tpu.memory_space<hbm>> -> memref<8x1x4x128xf32, #tpu.memory_space<hbm>>
        %dma_wait3A_259 = tpu.memref_squeeze %dma_wait3A_258 : memref<8x1x4x128xf32, #tpu.memory_space<hbm>> -> memref<8x4x128xf32, #tpu.memory_space<hbm>>
        %dma_wait3A_260 = arith.constant 0 : i32
        %dma_wait3A_261 = arith.constant 0 : i32
        %dma_wait3A_262 = arith.constant 0 : i32
        %dma_wait3A_263 = tpu.memref_slice %arg12[%rem3A_195, %dma_wait3A_260, %dma_wait3A_261, %dma_wait3A_262] : memref<4x8x4x128xf32, #tpu.memory_space<vmem>> -> memref<1x8x4x128xf32, #tpu.memory_space<vmem>>
        %dma_wait3A_264 = tpu.memref_squeeze %dma_wait3A_263 : memref<1x8x4x128xf32, #tpu.memory_space<vmem>> -> memref<8x4x128xf32, #tpu.memory_space<vmem>>
        tpu.wait_dma2 semaphore(%dma_wait3A_256 : memref<!tpu.dma_semaphore, #tpu.memory_space<semaphore_mem>>) src(%dma_wait3A_264 : memref<8x4x128xf32, #tpu.memory_space<vmem>>) dst(%dma_wait3A_259 : memref<8x4x128xf32, #tpu.memory_space<hbm>>)
      } else {
      }
      %parallel_loop3A = arith.constant 0 : i32
      %parallel_loop3A_214 = arith.constant 8 : i32
      %parallel_loop3A_215 = arith.constant 1 : i32
      scf.for %parallel_loop3A_243 = %parallel_loop3A to %parallel_loop3A_214 step %parallel_loop3A_215  : i32 {
        %parallel_loop3A_244 = arith.index_cast %rem3A_195 : i32 to index
        %parallel_loop3A_245 = arith.index_cast %parallel_loop3A_243 : i32 to index
        %parallel_loop3A_246 = arith.constant 0 : index
        %parallel_loop3A_247 = tpu.vector_load %arg11[%parallel_loop3A_244, %parallel_loop3A_245, %parallel_loop3A_246] {strides = array<i32>} : memref<4x8x512xi32, #tpu.memory_space<vmem>>, vector<16xi32>,
        %parallel_loop3A_248 = tpu.vector_load_idx %arg7[%parallel_loop3A_247] : memref<1024xf32, #tpu.memory_space<vmem>>[vector<16xi32>], vector<16xf32>,
        %parallel_loop3A_249 = arith.constant 0 : i32
        %parallel_loop3A_250 = arith.index_cast %rem3A_195 : i32 to index
        %parallel_loop3A_251 = arith.index_cast %parallel_loop3A_243 : i32 to index
        %parallel_loop3A_252 = arith.index_cast %parallel_loop3A_249 : i32 to index
        %parallel_loop3A_253 = arith.constant 0 : index
        %parallel_loop3A_254 = tpu.vector_load %arg12[%parallel_loop3A_250, %parallel_loop3A_251, %parallel_loop3A_252, %parallel_loop3A_253] {strides = array<i32>} : memref<4x8x4x128xf32, #tpu.memory_space<vmem>>, vector<16xf32>,
        tpu.vector_store %arg12[%parallel_loop3A_250, %parallel_loop3A_251, %parallel_loop3A_252, %parallel_loop3A_253], %parallel_loop3A_248 {strides = array<i32>} : memref<4x8x4x128xf32, #tpu.memory_space<vmem>>, vector<16xf32>,
        %parallel_loop3A_255 = arith.index_cast %rem3A_195 : i32 to index
        %parallel_loop3A_256 = arith.index_cast %parallel_loop3A_243 : i32 to index
        %parallel_loop3A_257 = arith.constant 16 : index
        %parallel_loop3A_258 = tpu.vector_load %arg11[%parallel_loop3A_255, %parallel_loop3A_256, %parallel_loop3A_257] {strides = array<i32>} : memref<4x8x512xi32, #tpu.memory_space<vmem>>, vector<16xi32>,
        %parallel_loop3A_259 = tpu.vector_load_idx %arg7[%parallel_loop3A_258] : memref<1024xf32, #tpu.memory_space<vmem>>[vector<16xi32>], vector<16xf32>,
        %parallel_loop3A_260 = arith.constant 0 : i32
        %parallel_loop3A_261 = arith.index_cast %rem3A_195 : i32 to index
        %parallel_loop3A_262 = arith.index_cast %parallel_loop3A_243 : i32 to index
        %parallel_loop3A_263 = arith.index_cast %parallel_loop3A_260 : i32 to index
        %parallel_loop3A_264 = arith.constant 16 : index
        %parallel_loop3A_265 = tpu.vector_load %arg12[%parallel_loop3A_261, %parallel_loop3A_262, %parallel_loop3A_263, %parallel_loop3A_264] {strides = array<i32>} : memref<4x8x4x128xf32, #tpu.memory_space<vmem>>, vector<16xf32>,
        tpu.vector_store %arg12[%parallel_loop3A_261, %parallel_loop3A_262, %parallel_loop3A_263, %parallel_loop3A_264], %parallel_loop3A_259 {strides = array<i32>} : memref<4x8x4x128xf32, #tpu.memory_space<vmem>>, vector<16xf32>,
        %parallel_loop3A_266 = arith.index_cast %rem3A_195 : i32 to index
        %parallel_loop3A_267 = arith.index_cast %parallel_loop3A_243 : i32 to index
        %parallel_loop3A_268 = arith.constant 32 : index
        %parallel_loop3A_269 = tpu.vector_load %arg11[%parallel_loop3A_266, %parallel_loop3A_267, %parallel_loop3A_268] {strides = array<i32>} : memref<4x8x512xi32, #tpu.memory_space<vmem>>, vector<16xi32>,
        %parallel_loop3A_270 = tpu.vector_load_idx %arg7[%parallel_loop3A_269] : memref<1024xf32, #tpu.memory_space<vmem>>[vector<16xi32>], vector<16xf32>,
        %parallel_loop3A_271 = arith.constant 0 : i32
        %parallel_loop3A_272 = arith.index_cast %rem3A_195 : i32 to index
        %parallel_loop3A_273 = arith.index_cast %parallel_loop3A_243 : i32 to index
        %parallel_loop3A_274 = arith.index_cast %parallel_loop3A_271 : i32 to index
        %parallel_loop3A_275 = arith.constant 32 : index
        %parallel_loop3A_276 = tpu.vector_load %arg12[%parallel_loop3A_272, %parallel_loop3A_273, %parallel_loop3A_274, %parallel_loop3A_275] {strides = array<i32>} : memref<4x8x4x128xf32, #tpu.memory_space<vmem>>, vector<16xf32>,
        tpu.vector_store %arg12[%parallel_loop3A_272, %parallel_loop3A_273, %parallel_loop3A_274, %parallel_loop3A_275], %parallel_loop3A_270 {strides = array<i32>} : memref<4x8x4x128xf32, #tpu.memory_space<vmem>>, vector<16xf32>,
        %parallel_loop3A_277 = arith.index_cast %rem3A_195 : i32 to index
        %parallel_loop3A_278 = arith.index_cast %parallel_loop3A_243 : i32 to index
        %parallel_loop3A_279 = arith.constant 48 : index
        %parallel_loop3A_280 = tpu.vector_load %arg11[%parallel_loop3A_277, %parallel_loop3A_278, %parallel_loop3A_279] {strides = array<i32>} : memref<4x8x512xi32, #tpu.memory_space<vmem>>, vector<16xi32>,
        %parallel_loop3A_281 = tpu.vector_load_idx %arg7[%parallel_loop3A_280] : memref<1024xf32, #tpu.memory_space<vmem>>[vector<16xi32>], vector<16xf32>,
        %parallel_loop3A_282 = arith.constant 0 : i32
        %parallel_loop3A_283 = arith.index_cast %rem3A_195 : i32 to index
        %parallel_loop3A_284 = arith.index_cast %parallel_loop3A_243 : i32 to index
        %parallel_loop3A_285 = arith.index_cast %parallel_loop3A_282 : i32 to index
        %parallel_loop3A_286 = arith.constant 48 : index
        %parallel_loop3A_287 = tpu.vector_load %arg12[%parallel_loop3A_283, %parallel_loop3A_284, %parallel_loop3A_285, %parallel_loop3A_286] {strides = array<i32>} : memref<4x8x4x128xf32, #tpu.memory_space<vmem>>, vector<16xf32>,
        tpu.vector_store %arg12[%parallel_loop3A_283, %parallel_loop3A_284, %parallel_loop3A_285, %parallel_loop3A_286], %parallel_loop3A_281 {strides = array<i32>} : memref<4x8x4x128xf32, #tpu.memory_space<vmem>>, vector<16xf32>,
        %parallel_loop3A_288 = arith.index_cast %rem3A_195 : i32 to index
        %parallel_loop3A_289 = arith.index_cast %parallel_loop3A_243 : i32 to index
        %parallel_loop3A_290 = arith.constant 64 : index
        %parallel_loop3A_291 = tpu.vector_load %arg11[%parallel_loop3A_288, %parallel_loop3A_289, %parallel_loop3A_290] {strides = array<i32>} : memref<4x8x512xi32, #tpu.memory_space<vmem>>, vector<16xi32>,
        %parallel_loop3A_292 = tpu.vector_load_idx %arg7[%parallel_loop3A_291] : memref<1024xf32, #tpu.memory_space<vmem>>[vector<16xi32>], vector<16xf32>,
        %parallel_loop3A_293 = arith.constant 0 : i32
        %parallel_loop3A_294 = arith.index_cast %rem3A_195 : i32 to index
        %parallel_loop3A_295 = arith.index_cast %parallel_loop3A_243 : i32 to index
        %parallel_loop3A_296 = arith.index_cast %parallel_loop3A_293 : i32 to index
        %parallel_loop3A_297 = arith.constant 64 : index
        %parallel_loop3A_298 = tpu.vector_load %arg12[%parallel_loop3A_294, %parallel_loop3A_295, %parallel_loop3A_296, %parallel_loop3A_297] {strides = array<i32>} : memref<4x8x4x128xf32, #tpu.memory_space<vmem>>, vector<16xf32>,
        tpu.vector_store %arg12[%parallel_loop3A_294, %parallel_loop3A_295, %parallel_loop3A_296, %parallel_loop3A_297], %parallel_loop3A_292 {strides = array<i32>} : memref<4x8x4x128xf32, #tpu.memory_space<vmem>>, vector<16xf32>,
        %parallel_loop3A_299 = arith.index_cast %rem3A_195 : i32 to index
        %parallel_loop3A_300 = arith.index_cast %parallel_loop3A_243 : i32 to index
        %parallel_loop3A_301 = arith.constant 80 : index
        %parallel_loop3A_302 = tpu.vector_load %arg11[%parallel_loop3A_299, %parallel_loop3A_300, %parallel_loop3A_301] {strides = array<i32>} : memref<4x8x512xi32, #tpu.memory_space<vmem>>, vector<16xi32>,
        %parallel_loop3A_303 = tpu.vector_load_idx %arg7[%parallel_loop3A_302] : memref<1024xf32, #tpu.memory_space<vmem>>[vector<16xi32>], vector<16xf32>,
        %parallel_loop3A_304 = arith.constant 0 : i32
        %parallel_loop3A_305 = arith.index_cast %rem3A_195 : i32 to index
        %parallel_loop3A_306 = arith.index_cast %parallel_loop3A_243 : i32 to index
        %parallel_loop3A_307 = arith.index_cast %parallel_loop3A_304 : i32 to index
        %parallel_loop3A_308 = arith.constant 80 : index
        %parallel_loop3A_309 = tpu.vector_load %arg12[%parallel_loop3A_305, %parallel_loop3A_306, %parallel_loop3A_307, %parallel_loop3A_308] {strides = array<i32>} : memref<4x8x4x128xf32, #tpu.memory_space<vmem>>, vector<16xf32>,
        tpu.vector_store %arg12[%parallel_loop3A_305, %parallel_loop3A_306, %parallel_loop3A_307, %parallel_loop3A_308], %parallel_loop3A_303 {strides = array<i32>} : memref<4x8x4x128xf32, #tpu.memory_space<vmem>>, vector<16xf32>,
        %parallel_loop3A_310 = arith.index_cast %rem3A_195 : i32 to index
        %parallel_loop3A_311 = arith.index_cast %parallel_loop3A_243 : i32 to index
        %parallel_loop3A_312 = arith.constant 96 : index
        %parallel_loop3A_313 = tpu.vector_load %arg11[%parallel_loop3A_310, %parallel_loop3A_311, %parallel_loop3A_312] {strides = array<i32>} : memref<4x8x512xi32, #tpu.memory_space<vmem>>, vector<16xi32>,
        %parallel_loop3A_314 = tpu.vector_load_idx %arg7[%parallel_loop3A_313] : memref<1024xf32, #tpu.memory_space<vmem>>[vector<16xi32>], vector<16xf32>,
        %parallel_loop3A_315 = arith.constant 0 : i32
        %parallel_loop3A_316 = arith.index_cast %rem3A_195 : i32 to index
        %parallel_loop3A_317 = arith.index_cast %parallel_loop3A_243 : i32 to index
        %parallel_loop3A_318 = arith.index_cast %parallel_loop3A_315 : i32 to index
        %parallel_loop3A_319 = arith.constant 96 : index
        %parallel_loop3A_320 = tpu.vector_load %arg12[%parallel_loop3A_316, %parallel_loop3A_317, %parallel_loop3A_318, %parallel_loop3A_319] {strides = array<i32>} : memref<4x8x4x128xf32, #tpu.memory_space<vmem>>, vector<16xf32>,
        tpu.vector_store %arg12[%parallel_loop3A_316, %parallel_loop3A_317, %parallel_loop3A_318, %parallel_loop3A_319], %parallel_loop3A_314 {strides = array<i32>} : memref<4x8x4x128xf32, #tpu.memory_space<vmem>>, vector<16xf32>,
        %parallel_loop3A_321 = arith.index_cast %rem3A_195 : i32 to index
        %parallel_loop3A_322 = arith.index_cast %parallel_loop3A_243 : i32 to index
        %parallel_loop3A_323 = arith.constant 112 : index
        %parallel_loop3A_324 = tpu.vector_load %arg11[%parallel_loop3A_321, %parallel_loop3A_322, %parallel_loop3A_323] {strides = array<i32>} : memref<4x8x512xi32, #tpu.memory_space<vmem>>, vector<16xi32>,
        %parallel_loop3A_325 = tpu.vector_load_idx %arg7[%parallel_loop3A_324] : memref<1024xf32, #tpu.memory_space<vmem>>[vector<16xi32>], vector<16xf32>,
        %parallel_loop3A_326 = arith.constant 0 : i32
        %parallel_loop3A_327 = arith.index_cast %rem3A_195 : i32 to index
        %parallel_loop3A_328 = arith.index_cast %parallel_loop3A_243 : i32 to index
        %parallel_loop3A_329 = arith.index_cast %parallel_loop3A_326 : i32 to index
        %parallel_loop3A_330 = arith.constant 112 : index
        %parallel_loop3A_331 = tpu.vector_load %arg12[%parallel_loop3A_327, %parallel_loop3A_328, %parallel_loop3A_329, %parallel_loop3A_330] {strides = array<i32>} : memref<4x8x4x128xf32, #tpu.memory_space<vmem>>, vector<16xf32>,
        tpu.vector_store %arg12[%parallel_loop3A_327, %parallel_loop3A_328, %parallel_loop3A_329, %parallel_loop3A_330], %parallel_loop3A_325 {strides = array<i32>} : memref<4x8x4x128xf32, #tpu.memory_space<vmem>>, vector<16xf32>,
        %parallel_loop3A_332 = arith.index_cast %rem3A_195 : i32 to index
        %parallel_loop3A_333 = arith.index_cast %parallel_loop3A_243 : i32 to index
        %parallel_loop3A_334 = arith.constant 128 : index
        %parallel_loop3A_335 = tpu.vector_load %arg11[%parallel_loop3A_332, %parallel_loop3A_333, %parallel_loop3A_334] {strides = array<i32>} : memref<4x8x512xi32, #tpu.memory_space<vmem>>, vector<16xi32>,
        %parallel_loop3A_336 = tpu.vector_load_idx %arg7[%parallel_loop3A_335] : memref<1024xf32, #tpu.memory_space<vmem>>[vector<16xi32>], vector<16xf32>,
        %parallel_loop3A_337 = arith.constant 1 : i32
        %parallel_loop3A_338 = arith.index_cast %rem3A_195 : i32 to index
        %parallel_loop3A_339 = arith.index_cast %parallel_loop3A_243 : i32 to index
        %parallel_loop3A_340 = arith.index_cast %parallel_loop3A_337 : i32 to index
        %parallel_loop3A_341 = arith.constant 0 : index
        %parallel_loop3A_342 = tpu.vector_load %arg12[%parallel_loop3A_338, %parallel_loop3A_339, %parallel_loop3A_340, %parallel_loop3A_341] {strides = array<i32>} : memref<4x8x4x128xf32, #tpu.memory_space<vmem>>, vector<16xf32>,
        tpu.vector_store %arg12[%parallel_loop3A_338, %parallel_loop3A_339, %parallel_loop3A_340, %parallel_loop3A_341], %parallel_loop3A_336 {strides = array<i32>} : memref<4x8x4x128xf32, #tpu.memory_space<vmem>>, vector<16xf32>,
        %parallel_loop3A_343 = arith.index_cast %rem3A_195 : i32 to index
        %parallel_loop3A_344 = arith.index_cast %parallel_loop3A_243 : i32 to index
        %parallel_loop3A_345 = arith.constant 144 : index
        %parallel_loop3A_346 = tpu.vector_load %arg11[%parallel_loop3A_343, %parallel_loop3A_344, %parallel_loop3A_345] {strides = array<i32>} : memref<4x8x512xi32, #tpu.memory_space<vmem>>, vector<16xi32>,
        %parallel_loop3A_347 = tpu.vector_load_idx %arg7[%parallel_loop3A_346] : memref<1024xf32, #tpu.memory_space<vmem>>[vector<16xi32>], vector<16xf32>,
        %parallel_loop3A_348 = arith.constant 1 : i32
        %parallel_loop3A_349 = arith.index_cast %rem3A_195 : i32 to index
        %parallel_loop3A_350 = arith.index_cast %parallel_loop3A_243 : i32 to index
        %parallel_loop3A_351 = arith.index_cast %parallel_loop3A_348 : i32 to index
        %parallel_loop3A_352 = arith.constant 16 : index
        %parallel_loop3A_353 = tpu.vector_load %arg12[%parallel_loop3A_349, %parallel_loop3A_350, %parallel_loop3A_351, %parallel_loop3A_352] {strides = array<i32>} : memref<4x8x4x128xf32, #tpu.memory_space<vmem>>, vector<16xf32>,
        tpu.vector_store %arg12[%parallel_loop3A_349, %parallel_loop3A_350, %parallel_loop3A_351, %parallel_loop3A_352], %parallel_loop3A_347 {strides = array<i32>} : memref<4x8x4x128xf32, #tpu.memory_space<vmem>>, vector<16xf32>,
        %parallel_loop3A_354 = arith.index_cast %rem3A_195 : i32 to index
        %parallel_loop3A_355 = arith.index_cast %parallel_loop3A_243 : i32 to index
        %parallel_loop3A_356 = arith.constant 160 : index
        %parallel_loop3A_357 = tpu.vector_load %arg11[%parallel_loop3A_354, %parallel_loop3A_355, %parallel_loop3A_356] {strides = array<i32>} : memref<4x8x512xi32, #tpu.memory_space<vmem>>, vector<16xi32>,
        %parallel_loop3A_358 = tpu.vector_load_idx %arg7[%parallel_loop3A_357] : memref<1024xf32, #tpu.memory_space<vmem>>[vector<16xi32>], vector<16xf32>,
        %parallel_loop3A_359 = arith.constant 1 : i32
        %parallel_loop3A_360 = arith.index_cast %rem3A_195 : i32 to index
        %parallel_loop3A_361 = arith.index_cast %parallel_loop3A_243 : i32 to index
        %parallel_loop3A_362 = arith.index_cast %parallel_loop3A_359 : i32 to index
        %parallel_loop3A_363 = arith.constant 32 : index
        %parallel_loop3A_364 = tpu.vector_load %arg12[%parallel_loop3A_360, %parallel_loop3A_361, %parallel_loop3A_362, %parallel_loop3A_363] {strides = array<i32>} : memref<4x8x4x128xf32, #tpu.memory_space<vmem>>, vector<16xf32>,
        tpu.vector_store %arg12[%parallel_loop3A_360, %parallel_loop3A_361, %parallel_loop3A_362, %parallel_loop3A_363], %parallel_loop3A_358 {strides = array<i32>} : memref<4x8x4x128xf32, #tpu.memory_space<vmem>>, vector<16xf32>,
        %parallel_loop3A_365 = arith.index_cast %rem3A_195 : i32 to index
        %parallel_loop3A_366 = arith.index_cast %parallel_loop3A_243 : i32 to index
        %parallel_loop3A_367 = arith.constant 176 : index
        %parallel_loop3A_368 = tpu.vector_load %arg11[%parallel_loop3A_365, %parallel_loop3A_366, %parallel_loop3A_367] {strides = array<i32>} : memref<4x8x512xi32, #tpu.memory_space<vmem>>, vector<16xi32>,
        %parallel_loop3A_369 = tpu.vector_load_idx %arg7[%parallel_loop3A_368] : memref<1024xf32, #tpu.memory_space<vmem>>[vector<16xi32>], vector<16xf32>,
        %parallel_loop3A_370 = arith.constant 1 : i32
        %parallel_loop3A_371 = arith.index_cast %rem3A_195 : i32 to index
        %parallel_loop3A_372 = arith.index_cast %parallel_loop3A_243 : i32 to index
        %parallel_loop3A_373 = arith.index_cast %parallel_loop3A_370 : i32 to index
        %parallel_loop3A_374 = arith.constant 48 : index
        %parallel_loop3A_375 = tpu.vector_load %arg12[%parallel_loop3A_371, %parallel_loop3A_372, %parallel_loop3A_373, %parallel_loop3A_374] {strides = array<i32>} : memref<4x8x4x128xf32, #tpu.memory_space<vmem>>, vector<16xf32>,
        tpu.vector_store %arg12[%parallel_loop3A_371, %parallel_loop3A_372, %parallel_loop3A_373, %parallel_loop3A_374], %parallel_loop3A_369 {strides = array<i32>} : memref<4x8x4x128xf32, #tpu.memory_space<vmem>>, vector<16xf32>,
        %parallel_loop3A_376 = arith.index_cast %rem3A_195 : i32 to index
        %parallel_loop3A_377 = arith.index_cast %parallel_loop3A_243 : i32 to index
        %parallel_loop3A_378 = arith.constant 192 : index
        %parallel_loop3A_379 = tpu.vector_load %arg11[%parallel_loop3A_376, %parallel_loop3A_377, %parallel_loop3A_378] {strides = array<i32>} : memref<4x8x512xi32, #tpu.memory_space<vmem>>, vector<16xi32>,
        %parallel_loop3A_380 = tpu.vector_load_idx %arg7[%parallel_loop3A_379] : memref<1024xf32, #tpu.memory_space<vmem>>[vector<16xi32>], vector<16xf32>,
        %parallel_loop3A_381 = arith.constant 1 : i32
        %parallel_loop3A_382 = arith.index_cast %rem3A_195 : i32 to index
        %parallel_loop3A_383 = arith.index_cast %parallel_loop3A_243 : i32 to index
        %parallel_loop3A_384 = arith.index_cast %parallel_loop3A_381 : i32 to index
        %parallel_loop3A_385 = arith.constant 64 : index
        %parallel_loop3A_386 = tpu.vector_load %arg12[%parallel_loop3A_382, %parallel_loop3A_383, %parallel_loop3A_384, %parallel_loop3A_385] {strides = array<i32>} : memref<4x8x4x128xf32, #tpu.memory_space<vmem>>, vector<16xf32>,
        tpu.vector_store %arg12[%parallel_loop3A_382, %parallel_loop3A_383, %parallel_loop3A_384, %parallel_loop3A_385], %parallel_loop3A_380 {strides = array<i32>} : memref<4x8x4x128xf32, #tpu.memory_space<vmem>>, vector<16xf32>,
        %parallel_loop3A_387 = arith.index_cast %rem3A_195 : i32 to index
        %parallel_loop3A_388 = arith.index_cast %parallel_loop3A_243 : i32 to index
        %parallel_loop3A_389 = arith.constant 208 : index
        %parallel_loop3A_390 = tpu.vector_load %arg11[%parallel_loop3A_387, %parallel_loop3A_388, %parallel_loop3A_389] {strides = array<i32>} : memref<4x8x512xi32, #tpu.memory_space<vmem>>, vector<16xi32>,
        %parallel_loop3A_391 = tpu.vector_load_idx %arg7[%parallel_loop3A_390] : memref<1024xf32, #tpu.memory_space<vmem>>[vector<16xi32>], vector<16xf32>,
        %parallel_loop3A_392 = arith.constant 1 : i32
        %parallel_loop3A_393 = arith.index_cast %rem3A_195 : i32 to index
        %parallel_loop3A_394 = arith.index_cast %parallel_loop3A_243 : i32 to index
        %parallel_loop3A_395 = arith.index_cast %parallel_loop3A_392 : i32 to index
        %parallel_loop3A_396 = arith.constant 80 : index
        %parallel_loop3A_397 = tpu.vector_load %arg12[%parallel_loop3A_393, %parallel_loop3A_394, %parallel_loop3A_395, %parallel_loop3A_396] {strides = array<i32>} : memref<4x8x4x128xf32, #tpu.memory_space<vmem>>, vector<16xf32>,
        tpu.vector_store %arg12[%parallel_loop3A_393, %parallel_loop3A_394, %parallel_loop3A_395, %parallel_loop3A_396], %parallel_loop3A_391 {strides = array<i32>} : memref<4x8x4x128xf32, #tpu.memory_space<vmem>>, vector<16xf32>,
        %parallel_loop3A_398 = arith.index_cast %rem3A_195 : i32 to index
        %parallel_loop3A_399 = arith.index_cast %parallel_loop3A_243 : i32 to index
        %parallel_loop3A_400 = arith.constant 224 : index
        %parallel_loop3A_401 = tpu.vector_load %arg11[%parallel_loop3A_398, %parallel_loop3A_399, %parallel_loop3A_400] {strides = array<i32>} : memref<4x8x512xi32, #tpu.memory_space<vmem>>, vector<16xi32>,
        %parallel_loop3A_402 = tpu.vector_load_idx %arg7[%parallel_loop3A_401] : memref<1024xf32, #tpu.memory_space<vmem>>[vector<16xi32>], vector<16xf32>,
        %parallel_loop3A_403 = arith.constant 1 : i32
        %parallel_loop3A_404 = arith.index_cast %rem3A_195 : i32 to index
        %parallel_loop3A_405 = arith.index_cast %parallel_loop3A_243 : i32 to index
        %parallel_loop3A_406 = arith.index_cast %parallel_loop3A_403 : i32 to index
        %parallel_loop3A_407 = arith.constant 96 : index
        %parallel_loop3A_408 = tpu.vector_load %arg12[%parallel_loop3A_404, %parallel_loop3A_405, %parallel_loop3A_406, %parallel_loop3A_407] {strides = array<i32>} : memref<4x8x4x128xf32, #tpu.memory_space<vmem>>, vector<16xf32>,
        tpu.vector_store %arg12[%parallel_loop3A_404, %parallel_loop3A_405, %parallel_loop3A_406, %parallel_loop3A_407], %parallel_loop3A_402 {strides = array<i32>} : memref<4x8x4x128xf32, #tpu.memory_space<vmem>>, vector<16xf32>,
        %parallel_loop3A_409 = arith.index_cast %rem3A_195 : i32 to index
        %parallel_loop3A_410 = arith.index_cast %parallel_loop3A_243 : i32 to index
        %parallel_loop3A_411 = arith.constant 240 : index
        %parallel_loop3A_412 = tpu.vector_load %arg11[%parallel_loop3A_409, %parallel_loop3A_410, %parallel_loop3A_411] {strides = array<i32>} : memref<4x8x512xi32, #tpu.memory_space<vmem>>, vector<16xi32>,
        %parallel_loop3A_413 = tpu.vector_load_idx %arg7[%parallel_loop3A_412] : memref<1024xf32, #tpu.memory_space<vmem>>[vector<16xi32>], vector<16xf32>,
        %parallel_loop3A_414 = arith.constant 1 : i32
        %parallel_loop3A_415 = arith.index_cast %rem3A_195 : i32 to index
        %parallel_loop3A_416 = arith.index_cast %parallel_loop3A_243 : i32 to index
        %parallel_loop3A_417 = arith.index_cast %parallel_loop3A_414 : i32 to index
        %parallel_loop3A_418 = arith.constant 112 : index
        %parallel_loop3A_419 = tpu.vector_load %arg12[%parallel_loop3A_415, %parallel_loop3A_416, %parallel_loop3A_417, %parallel_loop3A_418] {strides = array<i32>} : memref<4x8x4x128xf32, #tpu.memory_space<vmem>>, vector<16xf32>,
        tpu.vector_store %arg12[%parallel_loop3A_415, %parallel_loop3A_416, %parallel_loop3A_417, %parallel_loop3A_418], %parallel_loop3A_413 {strides = array<i32>} : memref<4x8x4x128xf32, #tpu.memory_space<vmem>>, vector<16xf32>,
        %parallel_loop3A_420 = arith.index_cast %rem3A_195 : i32 to index
        %parallel_loop3A_421 = arith.index_cast %parallel_loop3A_243 : i32 to index
        %parallel_loop3A_422 = arith.constant 256 : index
        %parallel_loop3A_423 = tpu.vector_load %arg11[%parallel_loop3A_420, %parallel_loop3A_421, %parallel_loop3A_422] {strides = array<i32>} : memref<4x8x512xi32, #tpu.memory_space<vmem>>, vector<16xi32>,
        %parallel_loop3A_424 = tpu.vector_load_idx %arg7[%parallel_loop3A_423] : memref<1024xf32, #tpu.memory_space<vmem>>[vector<16xi32>], vector<16xf32>,
        %parallel_loop3A_425 = arith.constant 2 : i32
        %parallel_loop3A_426 = arith.index_cast %rem3A_195 : i32 to index
        %parallel_loop3A_427 = arith.index_cast %parallel_loop3A_243 : i32 to index
        %parallel_loop3A_428 = arith.index_cast %parallel_loop3A_425 : i32 to index
        %parallel_loop3A_429 = arith.constant 0 : index
        %parallel_loop3A_430 = tpu.vector_load %arg12[%parallel_loop3A_426, %parallel_loop3A_427, %parallel_loop3A_428, %parallel_loop3A_429] {strides = array<i32>} : memref<4x8x4x128xf32, #tpu.memory_space<vmem>>, vector<16xf32>,
        tpu.vector_store %arg12[%parallel_loop3A_426, %parallel_loop3A_427, %parallel_loop3A_428, %parallel_loop3A_429], %parallel_loop3A_424 {strides = array<i32>} : memref<4x8x4x128xf32, #tpu.memory_space<vmem>>, vector<16xf32>,
        %parallel_loop3A_431 = arith.index_cast %rem3A_195 : i32 to index
        %parallel_loop3A_432 = arith.index_cast %parallel_loop3A_243 : i32 to index
        %parallel_loop3A_433 = arith.constant 272 : index
        %parallel_loop3A_434 = tpu.vector_load %arg11[%parallel_loop3A_431, %parallel_loop3A_432, %parallel_loop3A_433] {strides = array<i32>} : memref<4x8x512xi32, #tpu.memory_space<vmem>>, vector<16xi32>,
        %parallel_loop3A_435 = tpu.vector_load_idx %arg7[%parallel_loop3A_434] : memref<1024xf32, #tpu.memory_space<vmem>>[vector<16xi32>], vector<16xf32>,
        %parallel_loop3A_436 = arith.constant 2 : i32
        %parallel_loop3A_437 = arith.index_cast %rem3A_195 : i32 to index
        %parallel_loop3A_438 = arith.index_cast %parallel_loop3A_243 : i32 to index
        %parallel_loop3A_439 = arith.index_cast %parallel_loop3A_436 : i32 to index
        %parallel_loop3A_440 = arith.constant 16 : index
        %parallel_loop3A_441 = tpu.vector_load %arg12[%parallel_loop3A_437, %parallel_loop3A_438, %parallel_loop3A_439, %parallel_loop3A_440] {strides = array<i32>} : memref<4x8x4x128xf32, #tpu.memory_space<vmem>>, vector<16xf32>,
        tpu.vector_store %arg12[%parallel_loop3A_437, %parallel_loop3A_438, %parallel_loop3A_439, %parallel_loop3A_440], %parallel_loop3A_435 {strides = array<i32>} : memref<4x8x4x128xf32, #tpu.memory_space<vmem>>, vector<16xf32>,
        %parallel_loop3A_442 = arith.index_cast %rem3A_195 : i32 to index
        %parallel_loop3A_443 = arith.index_cast %parallel_loop3A_243 : i32 to index
        %parallel_loop3A_444 = arith.constant 288 : index
        %parallel_loop3A_445 = tpu.vector_load %arg11[%parallel_loop3A_442, %parallel_loop3A_443, %parallel_loop3A_444] {strides = array<i32>} : memref<4x8x512xi32, #tpu.memory_space<vmem>>, vector<16xi32>,
        %parallel_loop3A_446 = tpu.vector_load_idx %arg7[%parallel_loop3A_445] : memref<1024xf32, #tpu.memory_space<vmem>>[vector<16xi32>], vector<16xf32>,
        %parallel_loop3A_447 = arith.constant 2 : i32
        %parallel_loop3A_448 = arith.index_cast %rem3A_195 : i32 to index
        %parallel_loop3A_449 = arith.index_cast %parallel_loop3A_243 : i32 to index
        %parallel_loop3A_450 = arith.index_cast %parallel_loop3A_447 : i32 to index
        %parallel_loop3A_451 = arith.constant 32 : index
        %parallel_loop3A_452 = tpu.vector_load %arg12[%parallel_loop3A_448, %parallel_loop3A_449, %parallel_loop3A_450, %parallel_loop3A_451] {strides = array<i32>} : memref<4x8x4x128xf32, #tpu.memory_space<vmem>>, vector<16xf32>,
        tpu.vector_store %arg12[%parallel_loop3A_448, %parallel_loop3A_449, %parallel_loop3A_450, %parallel_loop3A_451], %parallel_loop3A_446 {strides = array<i32>} : memref<4x8x4x128xf32, #tpu.memory_space<vmem>>, vector<16xf32>,
        %parallel_loop3A_453 = arith.index_cast %rem3A_195 : i32 to index
        %parallel_loop3A_454 = arith.index_cast %parallel_loop3A_243 : i32 to index
        %parallel_loop3A_455 = arith.constant 304 : index
        %parallel_loop3A_456 = tpu.vector_load %arg11[%parallel_loop3A_453, %parallel_loop3A_454, %parallel_loop3A_455] {strides = array<i32>} : memref<4x8x512xi32, #tpu.memory_space<vmem>>, vector<16xi32>,
        %parallel_loop3A_457 = tpu.vector_load_idx %arg7[%parallel_loop3A_456] : memref<1024xf32, #tpu.memory_space<vmem>>[vector<16xi32>], vector<16xf32>,
        %parallel_loop3A_458 = arith.constant 2 : i32
        %parallel_loop3A_459 = arith.index_cast %rem3A_195 : i32 to index
        %parallel_loop3A_460 = arith.index_cast %parallel_loop3A_243 : i32 to index
        %parallel_loop3A_461 = arith.index_cast %parallel_loop3A_458 : i32 to index
        %parallel_loop3A_462 = arith.constant 48 : index
        %parallel_loop3A_463 = tpu.vector_load %arg12[%parallel_loop3A_459, %parallel_loop3A_460, %parallel_loop3A_461, %parallel_loop3A_462] {strides = array<i32>} : memref<4x8x4x128xf32, #tpu.memory_space<vmem>>, vector<16xf32>,
        tpu.vector_store %arg12[%parallel_loop3A_459, %parallel_loop3A_460, %parallel_loop3A_461, %parallel_loop3A_462], %parallel_loop3A_457 {strides = array<i32>} : memref<4x8x4x128xf32, #tpu.memory_space<vmem>>, vector<16xf32>,
        %parallel_loop3A_464 = arith.index_cast %rem3A_195 : i32 to index
        %parallel_loop3A_465 = arith.index_cast %parallel_loop3A_243 : i32 to index
        %parallel_loop3A_466 = arith.constant 320 : index
        %parallel_loop3A_467 = tpu.vector_load %arg11[%parallel_loop3A_464, %parallel_loop3A_465, %parallel_loop3A_466] {strides = array<i32>} : memref<4x8x512xi32, #tpu.memory_space<vmem>>, vector<16xi32>,
        %parallel_loop3A_468 = tpu.vector_load_idx %arg7[%parallel_loop3A_467] : memref<1024xf32, #tpu.memory_space<vmem>>[vector<16xi32>], vector<16xf32>,
        %parallel_loop3A_469 = arith.constant 2 : i32
        %parallel_loop3A_470 = arith.index_cast %rem3A_195 : i32 to index
        %parallel_loop3A_471 = arith.index_cast %parallel_loop3A_243 : i32 to index
        %parallel_loop3A_472 = arith.index_cast %parallel_loop3A_469 : i32 to index
        %parallel_loop3A_473 = arith.constant 64 : index
        %parallel_loop3A_474 = tpu.vector_load %arg12[%parallel_loop3A_470, %parallel_loop3A_471, %parallel_loop3A_472, %parallel_loop3A_473] {strides = array<i32>} : memref<4x8x4x128xf32, #tpu.memory_space<vmem>>, vector<16xf32>,
        tpu.vector_store %arg12[%parallel_loop3A_470, %parallel_loop3A_471, %parallel_loop3A_472, %parallel_loop3A_473], %parallel_loop3A_468 {strides = array<i32>} : memref<4x8x4x128xf32, #tpu.memory_space<vmem>>, vector<16xf32>,
        %parallel_loop3A_475 = arith.index_cast %rem3A_195 : i32 to index
        %parallel_loop3A_476 = arith.index_cast %parallel_loop3A_243 : i32 to index
        %parallel_loop3A_477 = arith.constant 336 : index
        %parallel_loop3A_478 = tpu.vector_load %arg11[%parallel_loop3A_475, %parallel_loop3A_476, %parallel_loop3A_477] {strides = array<i32>} : memref<4x8x512xi32, #tpu.memory_space<vmem>>, vector<16xi32>,
        %parallel_loop3A_479 = tpu.vector_load_idx %arg7[%parallel_loop3A_478] : memref<1024xf32, #tpu.memory_space<vmem>>[vector<16xi32>], vector<16xf32>,
        %parallel_loop3A_480 = arith.constant 2 : i32
        %parallel_loop3A_481 = arith.index_cast %rem3A_195 : i32 to index
        %parallel_loop3A_482 = arith.index_cast %parallel_loop3A_243 : i32 to index
        %parallel_loop3A_483 = arith.index_cast %parallel_loop3A_480 : i32 to index
        %parallel_loop3A_484 = arith.constant 80 : index
        %parallel_loop3A_485 = tpu.vector_load %arg12[%parallel_loop3A_481, %parallel_loop3A_482, %parallel_loop3A_483, %parallel_loop3A_484] {strides = array<i32>} : memref<4x8x4x128xf32, #tpu.memory_space<vmem>>, vector<16xf32>,
        tpu.vector_store %arg12[%parallel_loop3A_481, %parallel_loop3A_482, %parallel_loop3A_483, %parallel_loop3A_484], %parallel_loop3A_479 {strides = array<i32>} : memref<4x8x4x128xf32, #tpu.memory_space<vmem>>, vector<16xf32>,
        %parallel_loop3A_486 = arith.index_cast %rem3A_195 : i32 to index
        %parallel_loop3A_487 = arith.index_cast %parallel_loop3A_243 : i32 to index
        %parallel_loop3A_488 = arith.constant 352 : index
        %parallel_loop3A_489 = tpu.vector_load %arg11[%parallel_loop3A_486, %parallel_loop3A_487, %parallel_loop3A_488] {strides = array<i32>} : memref<4x8x512xi32, #tpu.memory_space<vmem>>, vector<16xi32>,
        %parallel_loop3A_490 = tpu.vector_load_idx %arg7[%parallel_loop3A_489] : memref<1024xf32, #tpu.memory_space<vmem>>[vector<16xi32>], vector<16xf32>,
        %parallel_loop3A_491 = arith.constant 2 : i32
        %parallel_loop3A_492 = arith.index_cast %rem3A_195 : i32 to index
        %parallel_loop3A_493 = arith.index_cast %parallel_loop3A_243 : i32 to index
        %parallel_loop3A_494 = arith.index_cast %parallel_loop3A_491 : i32 to index
        %parallel_loop3A_495 = arith.constant 96 : index
        %parallel_loop3A_496 = tpu.vector_load %arg12[%parallel_loop3A_492, %parallel_loop3A_493, %parallel_loop3A_494, %parallel_loop3A_495] {strides = array<i32>} : memref<4x8x4x128xf32, #tpu.memory_space<vmem>>, vector<16xf32>,
        tpu.vector_store %arg12[%parallel_loop3A_492, %parallel_loop3A_493, %parallel_loop3A_494, %parallel_loop3A_495], %parallel_loop3A_490 {strides = array<i32>} : memref<4x8x4x128xf32, #tpu.memory_space<vmem>>, vector<16xf32>,
        %parallel_loop3A_497 = arith.index_cast %rem3A_195 : i32 to index
        %parallel_loop3A_498 = arith.index_cast %parallel_loop3A_243 : i32 to index
        %parallel_loop3A_499 = arith.constant 368 : index
        %parallel_loop3A_500 = tpu.vector_load %arg11[%parallel_loop3A_497, %parallel_loop3A_498, %parallel_loop3A_499] {strides = array<i32>} : memref<4x8x512xi32, #tpu.memory_space<vmem>>, vector<16xi32>,
        %parallel_loop3A_501 = tpu.vector_load_idx %arg7[%parallel_loop3A_500] : memref<1024xf32, #tpu.memory_space<vmem>>[vector<16xi32>], vector<16xf32>,
        %parallel_loop3A_502 = arith.constant 2 : i32
        %parallel_loop3A_503 = arith.index_cast %rem3A_195 : i32 to index
        %parallel_loop3A_504 = arith.index_cast %parallel_loop3A_243 : i32 to index
        %parallel_loop3A_505 = arith.index_cast %parallel_loop3A_502 : i32 to index
        %parallel_loop3A_506 = arith.constant 112 : index
        %parallel_loop3A_507 = tpu.vector_load %arg12[%parallel_loop3A_503, %parallel_loop3A_504, %parallel_loop3A_505, %parallel_loop3A_506] {strides = array<i32>} : memref<4x8x4x128xf32, #tpu.memory_space<vmem>>, vector<16xf32>,
        tpu.vector_store %arg12[%parallel_loop3A_503, %parallel_loop3A_504, %parallel_loop3A_505, %parallel_loop3A_506], %parallel_loop3A_501 {strides = array<i32>} : memref<4x8x4x128xf32, #tpu.memory_space<vmem>>, vector<16xf32>,
        %parallel_loop3A_508 = arith.index_cast %rem3A_195 : i32 to index
        %parallel_loop3A_509 = arith.index_cast %parallel_loop3A_243 : i32 to index
        %parallel_loop3A_510 = arith.constant 384 : index
        %parallel_loop3A_511 = tpu.vector_load %arg11[%parallel_loop3A_508, %parallel_loop3A_509, %parallel_loop3A_510] {strides = array<i32>} : memref<4x8x512xi32, #tpu.memory_space<vmem>>, vector<16xi32>,
        %parallel_loop3A_512 = tpu.vector_load_idx %arg7[%parallel_loop3A_511] : memref<1024xf32, #tpu.memory_space<vmem>>[vector<16xi32>], vector<16xf32>,
        %parallel_loop3A_513 = arith.constant 3 : i32
        %parallel_loop3A_514 = arith.index_cast %rem3A_195 : i32 to index
        %parallel_loop3A_515 = arith.index_cast %parallel_loop3A_243 : i32 to index
        %parallel_loop3A_516 = arith.index_cast %parallel_loop3A_513 : i32 to index
        %parallel_loop3A_517 = arith.constant 0 : index
        %parallel_loop3A_518 = tpu.vector_load %arg12[%parallel_loop3A_514, %parallel_loop3A_515, %parallel_loop3A_516, %parallel_loop3A_517] {strides = array<i32>} : memref<4x8x4x128xf32, #tpu.memory_space<vmem>>, vector<16xf32>,
        tpu.vector_store %arg12[%parallel_loop3A_514, %parallel_loop3A_515, %parallel_loop3A_516, %parallel_loop3A_517], %parallel_loop3A_512 {strides = array<i32>} : memref<4x8x4x128xf32, #tpu.memory_space<vmem>>, vector<16xf32>,
        %parallel_loop3A_519 = arith.index_cast %rem3A_195 : i32 to index
        %parallel_loop3A_520 = arith.index_cast %parallel_loop3A_243 : i32 to index
        %parallel_loop3A_521 = arith.constant 400 : index
        %parallel_loop3A_522 = tpu.vector_load %arg11[%parallel_loop3A_519, %parallel_loop3A_520, %parallel_loop3A_521] {strides = array<i32>} : memref<4x8x512xi32, #tpu.memory_space<vmem>>, vector<16xi32>,
        %parallel_loop3A_523 = tpu.vector_load_idx %arg7[%parallel_loop3A_522] : memref<1024xf32, #tpu.memory_space<vmem>>[vector<16xi32>], vector<16xf32>,
        %parallel_loop3A_524 = arith.constant 3 : i32
        %parallel_loop3A_525 = arith.index_cast %rem3A_195 : i32 to index
        %parallel_loop3A_526 = arith.index_cast %parallel_loop3A_243 : i32 to index
        %parallel_loop3A_527 = arith.index_cast %parallel_loop3A_524 : i32 to index
        %parallel_loop3A_528 = arith.constant 16 : index
        %parallel_loop3A_529 = tpu.vector_load %arg12[%parallel_loop3A_525, %parallel_loop3A_526, %parallel_loop3A_527, %parallel_loop3A_528] {strides = array<i32>} : memref<4x8x4x128xf32, #tpu.memory_space<vmem>>, vector<16xf32>,
        tpu.vector_store %arg12[%parallel_loop3A_525, %parallel_loop3A_526, %parallel_loop3A_527, %parallel_loop3A_528], %parallel_loop3A_523 {strides = array<i32>} : memref<4x8x4x128xf32, #tpu.memory_space<vmem>>, vector<16xf32>,
        %parallel_loop3A_530 = arith.index_cast %rem3A_195 : i32 to index
        %parallel_loop3A_531 = arith.index_cast %parallel_loop3A_243 : i32 to index
        %parallel_loop3A_532 = arith.constant 416 : index
        %parallel_loop3A_533 = tpu.vector_load %arg11[%parallel_loop3A_530, %parallel_loop3A_531, %parallel_loop3A_532] {strides = array<i32>} : memref<4x8x512xi32, #tpu.memory_space<vmem>>, vector<16xi32>,
        %parallel_loop3A_534 = tpu.vector_load_idx %arg7[%parallel_loop3A_533] : memref<1024xf32, #tpu.memory_space<vmem>>[vector<16xi32>], vector<16xf32>,
        %parallel_loop3A_535 = arith.constant 3 : i32
        %parallel_loop3A_536 = arith.index_cast %rem3A_195 : i32 to index
        %parallel_loop3A_537 = arith.index_cast %parallel_loop3A_243 : i32 to index
        %parallel_loop3A_538 = arith.index_cast %parallel_loop3A_535 : i32 to index
        %parallel_loop3A_539 = arith.constant 32 : index
        %parallel_loop3A_540 = tpu.vector_load %arg12[%parallel_loop3A_536, %parallel_loop3A_537, %parallel_loop3A_538, %parallel_loop3A_539] {strides = array<i32>} : memref<4x8x4x128xf32, #tpu.memory_space<vmem>>, vector<16xf32>,
        tpu.vector_store %arg12[%parallel_loop3A_536, %parallel_loop3A_537, %parallel_loop3A_538, %parallel_loop3A_539], %parallel_loop3A_534 {strides = array<i32>} : memref<4x8x4x128xf32, #tpu.memory_space<vmem>>, vector<16xf32>,
        %parallel_loop3A_541 = arith.index_cast %rem3A_195 : i32 to index
        %parallel_loop3A_542 = arith.index_cast %parallel_loop3A_243 : i32 to index
        %parallel_loop3A_543 = arith.constant 432 : index
        %parallel_loop3A_544 = tpu.vector_load %arg11[%parallel_loop3A_541, %parallel_loop3A_542, %parallel_loop3A_543] {strides = array<i32>} : memref<4x8x512xi32, #tpu.memory_space<vmem>>, vector<16xi32>,
        %parallel_loop3A_545 = tpu.vector_load_idx %arg7[%parallel_loop3A_544] : memref<1024xf32, #tpu.memory_space<vmem>>[vector<16xi32>], vector<16xf32>,
        %parallel_loop3A_546 = arith.constant 3 : i32
        %parallel_loop3A_547 = arith.index_cast %rem3A_195 : i32 to index
        %parallel_loop3A_548 = arith.index_cast %parallel_loop3A_243 : i32 to index
        %parallel_loop3A_549 = arith.index_cast %parallel_loop3A_546 : i32 to index
        %parallel_loop3A_550 = arith.constant 48 : index
        %parallel_loop3A_551 = tpu.vector_load %arg12[%parallel_loop3A_547, %parallel_loop3A_548, %parallel_loop3A_549, %parallel_loop3A_550] {strides = array<i32>} : memref<4x8x4x128xf32, #tpu.memory_space<vmem>>, vector<16xf32>,
        tpu.vector_store %arg12[%parallel_loop3A_547, %parallel_loop3A_548, %parallel_loop3A_549, %parallel_loop3A_550], %parallel_loop3A_545 {strides = array<i32>} : memref<4x8x4x128xf32, #tpu.memory_space<vmem>>, vector<16xf32>,
        %parallel_loop3A_552 = arith.index_cast %rem3A_195 : i32 to index
        %parallel_loop3A_553 = arith.index_cast %parallel_loop3A_243 : i32 to index
        %parallel_loop3A_554 = arith.constant 448 : index
        %parallel_loop3A_555 = tpu.vector_load %arg11[%parallel_loop3A_552, %parallel_loop3A_553, %parallel_loop3A_554] {strides = array<i32>} : memref<4x8x512xi32, #tpu.memory_space<vmem>>, vector<16xi32>,
        %parallel_loop3A_556 = tpu.vector_load_idx %arg7[%parallel_loop3A_555] : memref<1024xf32, #tpu.memory_space<vmem>>[vector<16xi32>], vector<16xf32>,
        %parallel_loop3A_557 = arith.constant 3 : i32
        %parallel_loop3A_558 = arith.index_cast %rem3A_195 : i32 to index
        %parallel_loop3A_559 = arith.index_cast %parallel_loop3A_243 : i32 to index
        %parallel_loop3A_560 = arith.index_cast %parallel_loop3A_557 : i32 to index
        %parallel_loop3A_561 = arith.constant 64 : index
        %parallel_loop3A_562 = tpu.vector_load %arg12[%parallel_loop3A_558, %parallel_loop3A_559, %parallel_loop3A_560, %parallel_loop3A_561] {strides = array<i32>} : memref<4x8x4x128xf32, #tpu.memory_space<vmem>>, vector<16xf32>,
        tpu.vector_store %arg12[%parallel_loop3A_558, %parallel_loop3A_559, %parallel_loop3A_560, %parallel_loop3A_561], %parallel_loop3A_556 {strides = array<i32>} : memref<4x8x4x128xf32, #tpu.memory_space<vmem>>, vector<16xf32>,
        %parallel_loop3A_563 = arith.index_cast %rem3A_195 : i32 to index
        %parallel_loop3A_564 = arith.index_cast %parallel_loop3A_243 : i32 to index
        %parallel_loop3A_565 = arith.constant 464 : index
        %parallel_loop3A_566 = tpu.vector_load %arg11[%parallel_loop3A_563, %parallel_loop3A_564, %parallel_loop3A_565] {strides = array<i32>} : memref<4x8x512xi32, #tpu.memory_space<vmem>>, vector<16xi32>,
        %parallel_loop3A_567 = tpu.vector_load_idx %arg7[%parallel_loop3A_566] : memref<1024xf32, #tpu.memory_space<vmem>>[vector<16xi32>], vector<16xf32>,
        %parallel_loop3A_568 = arith.constant 3 : i32
        %parallel_loop3A_569 = arith.index_cast %rem3A_195 : i32 to index
        %parallel_loop3A_570 = arith.index_cast %parallel_loop3A_243 : i32 to index
        %parallel_loop3A_571 = arith.index_cast %parallel_loop3A_568 : i32 to index
        %parallel_loop3A_572 = arith.constant 80 : index
        %parallel_loop3A_573 = tpu.vector_load %arg12[%parallel_loop3A_569, %parallel_loop3A_570, %parallel_loop3A_571, %parallel_loop3A_572] {strides = array<i32>} : memref<4x8x4x128xf32, #tpu.memory_space<vmem>>, vector<16xf32>,
        tpu.vector_store %arg12[%parallel_loop3A_569, %parallel_loop3A_570, %parallel_loop3A_571, %parallel_loop3A_572], %parallel_loop3A_567 {strides = array<i32>} : memref<4x8x4x128xf32, #tpu.memory_space<vmem>>, vector<16xf32>,
        %parallel_loop3A_574 = arith.index_cast %rem3A_195 : i32 to index
        %parallel_loop3A_575 = arith.index_cast %parallel_loop3A_243 : i32 to index
        %parallel_loop3A_576 = arith.constant 480 : index
        %parallel_loop3A_577 = tpu.vector_load %arg11[%parallel_loop3A_574, %parallel_loop3A_575, %parallel_loop3A_576] {strides = array<i32>} : memref<4x8x512xi32, #tpu.memory_space<vmem>>, vector<16xi32>,
        %parallel_loop3A_578 = tpu.vector_load_idx %arg7[%parallel_loop3A_577] : memref<1024xf32, #tpu.memory_space<vmem>>[vector<16xi32>], vector<16xf32>,
        %parallel_loop3A_579 = arith.constant 3 : i32
        %parallel_loop3A_580 = arith.index_cast %rem3A_195 : i32 to index
        %parallel_loop3A_581 = arith.index_cast %parallel_loop3A_243 : i32 to index
        %parallel_loop3A_582 = arith.index_cast %parallel_loop3A_579 : i32 to index
        %parallel_loop3A_583 = arith.constant 96 : index
        %parallel_loop3A_584 = tpu.vector_load %arg12[%parallel_loop3A_580, %parallel_loop3A_581, %parallel_loop3A_582, %parallel_loop3A_583] {strides = array<i32>} : memref<4x8x4x128xf32, #tpu.memory_space<vmem>>, vector<16xf32>,
        tpu.vector_store %arg12[%parallel_loop3A_580, %parallel_loop3A_581, %parallel_loop3A_582, %parallel_loop3A_583], %parallel_loop3A_578 {strides = array<i32>} : memref<4x8x4x128xf32, #tpu.memory_space<vmem>>, vector<16xf32>,
        %parallel_loop3A_585 = arith.index_cast %rem3A_195 : i32 to index
        %parallel_loop3A_586 = arith.index_cast %parallel_loop3A_243 : i32 to index
        %parallel_loop3A_587 = arith.constant 496 : index
        %parallel_loop3A_588 = tpu.vector_load %arg11[%parallel_loop3A_585, %parallel_loop3A_586, %parallel_loop3A_587] {strides = array<i32>} : memref<4x8x512xi32, #tpu.memory_space<vmem>>, vector<16xi32>,
        %parallel_loop3A_589 = tpu.vector_load_idx %arg7[%parallel_loop3A_588] : memref<1024xf32, #tpu.memory_space<vmem>>[vector<16xi32>], vector<16xf32>,
        %parallel_loop3A_590 = arith.constant 3 : i32
        %parallel_loop3A_591 = arith.index_cast %rem3A_195 : i32 to index
        %parallel_loop3A_592 = arith.index_cast %parallel_loop3A_243 : i32 to index
        %parallel_loop3A_593 = arith.index_cast %parallel_loop3A_590 : i32 to index
        %parallel_loop3A_594 = arith.constant 112 : index
        %parallel_loop3A_595 = tpu.vector_load %arg12[%parallel_loop3A_591, %parallel_loop3A_592, %parallel_loop3A_593, %parallel_loop3A_594] {strides = array<i32>} : memref<4x8x4x128xf32, #tpu.memory_space<vmem>>, vector<16xf32>,
        tpu.vector_store %arg12[%parallel_loop3A_591, %parallel_loop3A_592, %parallel_loop3A_593, %parallel_loop3A_594], %parallel_loop3A_589 {strides = array<i32>} : memref<4x8x4x128xf32, #tpu.memory_space<vmem>>, vector<16xf32>,
      } {sc.loop_unroll_factor = 2 : i64, sc.parallel_access}
      %mul3A_216 = arith.constant 8 : i32
      %mul3A_217 = arith.muli %scan3A_193, %mul3A_216 : i32
      %dma_start3A_218 = arith.constant 0 : i32
      %dma_start3A_219 = arith.constant 0 : i32
      %dma_start3A_220 = arith.constant 0 : i32
      %dma_start3A_221 = tpu.memref_slice %arg12[%rem3A_195, %dma_start3A_218, %dma_start3A_219, %dma_start3A_220] : memref<4x8x4x128xf32, #tpu.memory_space<vmem>> -> memref<1x8x4x128xf32, #tpu.memory_space<vmem>>
      %dma_start3A_222 = tpu.memref_squeeze %dma_start3A_221 : memref<1x8x4x128xf32, #tpu.memory_space<vmem>> -> memref<8x4x128xf32, #tpu.memory_space<vmem>>
      %dma_start3A_223 = arith.constant 0 : i32
      %dma_start3A_224 = tpu.memref_slice %arg6[%mul3A_217, %select_n3A, %mul3A_34, %dma_start3A_223] : memref<200x16x8x128xf32, #tpu.memory_space<hbm>> -> memref<8x1x4x128xf32, #tpu.memory_space<hbm>>
      %dma_start3A_225 = tpu.memref_squeeze %dma_start3A_224 : memref<8x1x4x128xf32, #tpu.memory_space<hbm>> -> memref<8x4x128xf32, #tpu.memory_space<hbm>>
      %dma_start3A_226 = tpu.memref_slice %arg14[%rem3A_195] : memref<4x!tpu.dma_semaphore, #tpu.memory_space<semaphore_mem>> -> memref<1x!tpu.dma_semaphore, #tpu.memory_space<semaphore_mem>>
      %dma_start3A_227 = tpu.memref_squeeze %dma_start3A_226 : memref<1x!tpu.dma_semaphore, #tpu.memory_space<semaphore_mem>> -> memref<!tpu.dma_semaphore, #tpu.memory_space<semaphore_mem>>
      %dma_start3A_228 = arith.constant 0 : i32
      %dma_start3A_229 = tpu.memref_slice %arg6[%mul3A_217, %select_n3A, %mul3A_34, %dma_start3A_228] : memref<200x16x8x128xf32, #tpu.memory_space<hbm>> -> memref<8x1x4x128xf32, #tpu.memory_space<hbm>>
      %dma_start3A_230 = tpu.memref_squeeze %dma_start3A_229 : memref<8x1x4x128xf32, #tpu.memory_space<hbm>> -> memref<8x4x128xf32, #tpu.memory_space<hbm>>
      %dma_start3A_231 = arith.constant 0 : i32
      %dma_start3A_232 = arith.constant 0 : i32
      %dma_start3A_233 = arith.constant 0 : i32
      %dma_start3A_234 = tpu.memref_slice %arg12[%rem3A_195, %dma_start3A_231, %dma_start3A_232, %dma_start3A_233] : memref<4x8x4x128xf32, #tpu.memory_space<vmem>> -> memref<1x8x4x128xf32, #tpu.memory_space<vmem>>
      %dma_start3A_235 = tpu.memref_squeeze %dma_start3A_234 : memref<1x8x4x128xf32, #tpu.memory_space<vmem>> -> memref<8x4x128xf32, #tpu.memory_space<vmem>>
      tpu.enqueue_dma source(%dma_start3A_235 : memref<8x4x128xf32, #tpu.memory_space<vmem>>) target(%dma_start3A_230 : memref<8x4x128xf32, #tpu.memory_space<hbm>>) target_semaphore(%dma_start3A_227 : memref<!tpu.dma_semaphore, #tpu.memory_space<semaphore_mem>>)
      %add3A_236 = arith.constant 4 : i32
      %add3A_237 = arith.addi %scan3A_193, %add3A_236 : i32
      %lt3A_238 = arith.constant 25 : i32
      %lt3A_239 = arith.cmpi slt, %add3A_237, %lt3A_238 : i32
      %convert_element_type3A_240 = arith.extui %lt3A_239 : i1 to i32
      %cond3A_241 = arith.constant 0 : i32
      %cond3A_242 = arith.cmpi ne, %convert_element_type3A_240, %cond3A_241 : i32
      scf.if %cond3A_242 {
        %add3A_243 = arith.constant 4 : i32
        %add3A_244 = arith.addi %scan3A_193, %add3A_243 : i32
        %mul3A_245 = arith.constant 8 : i32
        %mul3A_246 = arith.muli %add3A_244, %mul3A_245 : i32
        %dma_start3A_247 = arith.constant 0 : i32
        %dma_start3A_248 = arith.constant 0 : i32
        %dma_start3A_249 = tpu.memref_slice %arg11[%rem3A_195, %dma_start3A_247, %dma_start3A_248] : memref<4x8x512xi32, #tpu.memory_space<vmem>> -> memref<1x8x512xi32, #tpu.memory_space<vmem>>
        %dma_start3A_250 = tpu.memref_squeeze %dma_start3A_249 : memref<1x8x512xi32, #tpu.memory_space<vmem>> -> memref<8x512xi32, #tpu.memory_space<vmem>>
        %dma_start3A_251 = tpu.memref_slice %arg5[%mul3A_246, %mul3A_2] : memref<200x16384xi32, #tpu.memory_space<hbm>> -> memref<8x512xi32, #tpu.memory_space<hbm>>
        %dma_start3A_252 = tpu.memref_slice %arg13[%rem3A_195] : memref<4x!tpu.dma_semaphore, #tpu.memory_space<semaphore_mem>> -> memref<1x!tpu.dma_semaphore, #tpu.memory_space<semaphore_mem>>
        %dma_start3A_253 = tpu.memref_squeeze %dma_start3A_252 : memref<1x!tpu.dma_semaphore, #tpu.memory_space<semaphore_mem>> -> memref<!tpu.dma_semaphore, #tpu.memory_space<semaphore_mem>>
        %dma_start3A_254 = arith.constant 0 : i32
        %dma_start3A_255 = arith.constant 0 : i32
        %dma_start3A_256 = tpu.memref_slice %arg11[%rem3A_195, %dma_start3A_254, %dma_start3A_255] : memref<4x8x512xi32, #tpu.memory_space<vmem>> -> memref<1x8x512xi32, #tpu.memory_space<vmem>>
        %dma_start3A_257 = tpu.memref_squeeze %dma_start3A_256 : memref<1x8x512xi32, #tpu.memory_space<vmem>> -> memref<8x512xi32, #tpu.memory_space<vmem>>
        %dma_start3A_258 = tpu.memref_slice %arg5[%mul3A_246, %mul3A_2] : memref<200x16384xi32, #tpu.memory_space<hbm>> -> memref<8x512xi32, #tpu.memory_space<hbm>>
        tpu.enqueue_dma source(%dma_start3A_258 : memref<8x512xi32, #tpu.memory_space<hbm>>) target(%dma_start3A_257 : memref<8x512xi32, #tpu.memory_space<vmem>>) target_semaphore(%dma_start3A_253 : memref<!tpu.dma_semaphore, #tpu.memory_space<semaphore_mem>>)
      } else {
      }
    }
    %scan3A_105 = arith.constant 25 : i32
    %dma_wait3A = arith.constant 1 : i32
    %dma_wait3A_106 = arith.constant 1 : i32
    %dma_wait3A_107 = arith.constant 0 : i32
    %dma_wait3A_108 = arith.constant 0 : i32
    %dma_wait3A_109 = arith.constant 0 : i32
    %dma_wait3A_110 = tpu.memref_slice %arg12[%dma_wait3A, %dma_wait3A_107, %dma_wait3A_108, %dma_wait3A_109] : memref<4x8x4x128xf32, #tpu.memory_space<vmem>> -> memref<1x8x4x128xf32, #tpu.memory_space<vmem>>
    %dma_wait3A_111 = tpu.memref_squeeze %dma_wait3A_110 : memref<1x8x4x128xf32, #tpu.memory_space<vmem>> -> memref<8x4x128xf32, #tpu.memory_space<vmem>>
    %dma_wait3A_112 = arith.constant 168 : i32
    %dma_wait3A_113 = arith.constant 0 : i32
    %dma_wait3A_114 = tpu.memref_slice %arg6[%dma_wait3A_112, %select_n3A, %mul3A_34, %dma_wait3A_113] : memref<200x16x8x128xf32, #tpu.memory_space<hbm>> -> memref<8x1x4x128xf32, #tpu.memory_space<hbm>>
    %dma_wait3A_115 = tpu.memref_squeeze %dma_wait3A_114 : memref<8x1x4x128xf32, #tpu.memory_space<hbm>> -> memref<8x4x128xf32, #tpu.memory_space<hbm>>
    %dma_wait3A_116 = tpu.memref_slice %arg14[%dma_wait3A_106] : memref<4x!tpu.dma_semaphore, #tpu.memory_space<semaphore_mem>> -> memref<1x!tpu.dma_semaphore, #tpu.memory_space<semaphore_mem>>
    %dma_wait3A_117 = tpu.memref_squeeze %dma_wait3A_116 : memref<1x!tpu.dma_semaphore, #tpu.memory_space<semaphore_mem>> -> memref<!tpu.dma_semaphore, #tpu.memory_space<semaphore_mem>>
    %dma_wait3A_118 = arith.constant 168 : i32
    %dma_wait3A_119 = arith.constant 0 : i32
    %dma_wait3A_120 = tpu.memref_slice %arg6[%dma_wait3A_118, %select_n3A, %mul3A_34, %dma_wait3A_119] : memref<200x16x8x128xf32, #tpu.memory_space<hbm>> -> memref<8x1x4x128xf32, #tpu.memory_space<hbm>>
    %dma_wait3A_121 = tpu.memref_squeeze %dma_wait3A_120 : memref<8x1x4x128xf32, #tpu.memory_space<hbm>> -> memref<8x4x128xf32, #tpu.memory_space<hbm>>
    %dma_wait3A_122 = arith.constant 0 : i32
    %dma_wait3A_123 = arith.constant 0 : i32
    %dma_wait3A_124 = arith.constant 0 : i32
    %dma_wait3A_125 = tpu.memref_slice %arg12[%dma_wait3A, %dma_wait3A_122, %dma_wait3A_123, %dma_wait3A_124] : memref<4x8x4x128xf32, #tpu.memory_space<vmem>> -> memref<1x8x4x128xf32, #tpu.memory_space<vmem>>
    %dma_wait3A_126 = tpu.memref_squeeze %dma_wait3A_125 : memref<1x8x4x128xf32, #tpu.memory_space<vmem>> -> memref<8x4x128xf32, #tpu.memory_space<vmem>>
    tpu.wait_dma2 semaphore(%dma_wait3A_117 : memref<!tpu.dma_semaphore, #tpu.memory_space<semaphore_mem>>) src(%dma_wait3A_126 : memref<8x4x128xf32, #tpu.memory_space<vmem>>) dst(%dma_wait3A_121 : memref<8x4x128xf32, #tpu.memory_space<hbm>>)
    %dma_wait3A_127 = arith.constant 2 : i32
    %dma_wait3A_128 = arith.constant 2 : i32
    %dma_wait3A_129 = arith.constant 0 : i32
    %dma_wait3A_130 = arith.constant 0 : i32
    %dma_wait3A_131 = arith.constant 0 : i32
    %dma_wait3A_132 = tpu.memref_slice %arg12[%dma_wait3A_127, %dma_wait3A_129, %dma_wait3A_130, %dma_wait3A_131] : memref<4x8x4x128xf32, #tpu.memory_space<vmem>> -> memref<1x8x4x128xf32, #tpu.memory_space<vmem>>
    %dma_wait3A_133 = tpu.memref_squeeze %dma_wait3A_132 : memref<1x8x4x128xf32, #tpu.memory_space<vmem>> -> memref<8x4x128xf32, #tpu.memory_space<vmem>>
    %dma_wait3A_134 = arith.constant 176 : i32
    %dma_wait3A_135 = arith.constant 0 : i32
    %dma_wait3A_136 = tpu.memref_slice %arg6[%dma_wait3A_134, %select_n3A, %mul3A_34, %dma_wait3A_135] : memref<200x16x8x128xf32, #tpu.memory_space<hbm>> -> memref<8x1x4x128xf32, #tpu.memory_space<hbm>>
    %dma_wait3A_137 = tpu.memref_squeeze %dma_wait3A_136 : memref<8x1x4x128xf32, #tpu.memory_space<hbm>> -> memref<8x4x128xf32, #tpu.memory_space<hbm>>
    %dma_wait3A_138 = tpu.memref_slice %arg14[%dma_wait3A_128] : memref<4x!tpu.dma_semaphore, #tpu.memory_space<semaphore_mem>> -> memref<1x!tpu.dma_semaphore, #tpu.memory_space<semaphore_mem>>
    %dma_wait3A_139 = tpu.memref_squeeze %dma_wait3A_138 : memref<1x!tpu.dma_semaphore, #tpu.memory_space<semaphore_mem>> -> memref<!tpu.dma_semaphore, #tpu.memory_space<semaphore_mem>>
    %dma_wait3A_140 = arith.constant 176 : i32
    %dma_wait3A_141 = arith.constant 0 : i32
    %dma_wait3A_142 = tpu.memref_slice %arg6[%dma_wait3A_140, %select_n3A, %mul3A_34, %dma_wait3A_141] : memref<200x16x8x128xf32, #tpu.memory_space<hbm>> -> memref<8x1x4x128xf32, #tpu.memory_space<hbm>>
    %dma_wait3A_143 = tpu.memref_squeeze %dma_wait3A_142 : memref<8x1x4x128xf32, #tpu.memory_space<hbm>> -> memref<8x4x128xf32, #tpu.memory_space<hbm>>
    %dma_wait3A_144 = arith.constant 0 : i32
    %dma_wait3A_145 = arith.constant 0 : i32
    %dma_wait3A_146 = arith.constant 0 : i32
    %dma_wait3A_147 = tpu.memref_slice %arg12[%dma_wait3A_127, %dma_wait3A_144, %dma_wait3A_145, %dma_wait3A_146] : memref<4x8x4x128xf32, #tpu.memory_space<vmem>> -> memref<1x8x4x128xf32, #tpu.memory_space<vmem>>
    %dma_wait3A_148 = tpu.memref_squeeze %dma_wait3A_147 : memref<1x8x4x128xf32, #tpu.memory_space<vmem>> -> memref<8x4x128xf32, #tpu.memory_space<vmem>>
    tpu.wait_dma2 semaphore(%dma_wait3A_139 : memref<!tpu.dma_semaphore, #tpu.memory_space<semaphore_mem>>) src(%dma_wait3A_148 : memref<8x4x128xf32, #tpu.memory_space<vmem>>) dst(%dma_wait3A_143 : memref<8x4x128xf32, #tpu.memory_space<hbm>>)
    %dma_wait3A_149 = arith.constant 3 : i32
    %dma_wait3A_150 = arith.constant 3 : i32
    %dma_wait3A_151 = arith.constant 0 : i32
    %dma_wait3A_152 = arith.constant 0 : i32
    %dma_wait3A_153 = arith.constant 0 : i32
    %dma_wait3A_154 = tpu.memref_slice %arg12[%dma_wait3A_149, %dma_wait3A_151, %dma_wait3A_152, %dma_wait3A_153] : memref<4x8x4x128xf32, #tpu.memory_space<vmem>> -> memref<1x8x4x128xf32, #tpu.memory_space<vmem>>
    %dma_wait3A_155 = tpu.memref_squeeze %dma_wait3A_154 : memref<1x8x4x128xf32, #tpu.memory_space<vmem>> -> memref<8x4x128xf32, #tpu.memory_space<vmem>>
    %dma_wait3A_156 = arith.constant 184 : i32
    %dma_wait3A_157 = arith.constant 0 : i32
    %dma_wait3A_158 = tpu.memref_slice %arg6[%dma_wait3A_156, %select_n3A, %mul3A_34, %dma_wait3A_157] : memref<200x16x8x128xf32, #tpu.memory_space<hbm>> -> memref<8x1x4x128xf32, #tpu.memory_space<hbm>>
    %dma_wait3A_159 = tpu.memref_squeeze %dma_wait3A_158 : memref<8x1x4x128xf32, #tpu.memory_space<hbm>> -> memref<8x4x128xf32, #tpu.memory_space<hbm>>
    %dma_wait3A_160 = tpu.memref_slice %arg14[%dma_wait3A_150] : memref<4x!tpu.dma_semaphore, #tpu.memory_space<semaphore_mem>> -> memref<1x!tpu.dma_semaphore, #tpu.memory_space<semaphore_mem>>
    %dma_wait3A_161 = tpu.memref_squeeze %dma_wait3A_160 : memref<1x!tpu.dma_semaphore, #tpu.memory_space<semaphore_mem>> -> memref<!tpu.dma_semaphore, #tpu.memory_space<semaphore_mem>>
    %dma_wait3A_162 = arith.constant 184 : i32
    %dma_wait3A_163 = arith.constant 0 : i32
    %dma_wait3A_164 = tpu.memref_slice %arg6[%dma_wait3A_162, %select_n3A, %mul3A_34, %dma_wait3A_163] : memref<200x16x8x128xf32, #tpu.memory_space<hbm>> -> memref<8x1x4x128xf32, #tpu.memory_space<hbm>>
    %dma_wait3A_165 = tpu.memref_squeeze %dma_wait3A_164 : memref<8x1x4x128xf32, #tpu.memory_space<hbm>> -> memref<8x4x128xf32, #tpu.memory_space<hbm>>
    %dma_wait3A_166 = arith.constant 0 : i32
    %dma_wait3A_167 = arith.constant 0 : i32
    %dma_wait3A_168 = arith.constant 0 : i32
    %dma_wait3A_169 = tpu.memref_slice %arg12[%dma_wait3A_149, %dma_wait3A_166, %dma_wait3A_167, %dma_wait3A_168] : memref<4x8x4x128xf32, #tpu.memory_space<vmem>> -> memref<1x8x4x128xf32, #tpu.memory_space<vmem>>
    %dma_wait3A_170 = tpu.memref_squeeze %dma_wait3A_169 : memref<1x8x4x128xf32, #tpu.memory_space<vmem>> -> memref<8x4x128xf32, #tpu.memory_space<vmem>>
    tpu.wait_dma2 semaphore(%dma_wait3A_161 : memref<!tpu.dma_semaphore, #tpu.memory_space<semaphore_mem>>) src(%dma_wait3A_170 : memref<8x4x128xf32, #tpu.memory_space<vmem>>) dst(%dma_wait3A_165 : memref<8x4x128xf32, #tpu.memory_space<hbm>>)
    %dma_wait3A_171 = arith.constant 0 : i32
    %dma_wait3A_172 = arith.constant 0 : i32
    %dma_wait3A_173 = arith.constant 0 : i32
    %dma_wait3A_174 = arith.constant 0 : i32
    %dma_wait3A_175 = arith.constant 0 : i32
    %dma_wait3A_176 = tpu.memref_slice %arg12[%dma_wait3A_171, %dma_wait3A_173, %dma_wait3A_174, %dma_wait3A_175] : memref<4x8x4x128xf32, #tpu.memory_space<vmem>> -> memref<1x8x4x128xf32, #tpu.memory_space<vmem>>
    %dma_wait3A_177 = tpu.memref_squeeze %dma_wait3A_176 : memref<1x8x4x128xf32, #tpu.memory_space<vmem>> -> memref<8x4x128xf32, #tpu.memory_space<vmem>>
    %dma_wait3A_178 = arith.constant 192 : i32
    %dma_wait3A_179 = arith.constant 0 : i32
    %dma_wait3A_180 = tpu.memref_slice %arg6[%dma_wait3A_178, %select_n3A, %mul3A_34, %dma_wait3A_179] : memref<200x16x8x128xf32, #tpu.memory_space<hbm>> -> memref<8x1x4x128xf32, #tpu.memory_space<hbm>>
    %dma_wait3A_181 = tpu.memref_squeeze %dma_wait3A_180 : memref<8x1x4x128xf32, #tpu.memory_space<hbm>> -> memref<8x4x128xf32, #tpu.memory_space<hbm>>
    %dma_wait3A_182 = tpu.memref_slice %arg14[%dma_wait3A_172] : memref<4x!tpu.dma_semaphore, #tpu.memory_space<semaphore_mem>> -> memref<1x!tpu.dma_semaphore, #tpu.memory_space<semaphore_mem>>
    %dma_wait3A_183 = tpu.memref_squeeze %dma_wait3A_182 : memref<1x!tpu.dma_semaphore, #tpu.memory_space<semaphore_mem>> -> memref<!tpu.dma_semaphore, #tpu.memory_space<semaphore_mem>>
    %dma_wait3A_184 = arith.constant 192 : i32
    %dma_wait3A_185 = arith.constant 0 : i32
    %dma_wait3A_186 = tpu.memref_slice %arg6[%dma_wait3A_184, %select_n3A, %mul3A_34, %dma_wait3A_185] : memref<200x16x8x128xf32, #tpu.memory_space<hbm>> -> memref<8x1x4x128xf32, #tpu.memory_space<hbm>>
    %dma_wait3A_187 = tpu.memref_squeeze %dma_wait3A_186 : memref<8x1x4x128xf32, #tpu.memory_space<hbm>> -> memref<8x4x128xf32, #tpu.memory_space<hbm>>
    %dma_wait3A_188 = arith.constant 0 : i32
    %dma_wait3A_189 = arith.constant 0 : i32
    %dma_wait3A_190 = arith.constant 0 : i32
    %dma_wait3A_191 = tpu.memref_slice %arg12[%dma_wait3A_171, %dma_wait3A_188, %dma_wait3A_189, %dma_wait3A_190] : memref<4x8x4x128xf32, #tpu.memory_space<vmem>> -> memref<1x8x4x128xf32, #tpu.memory_space<vmem>>
    %dma_wait3A_192 = tpu.memref_squeeze %dma_wait3A_191 : memref<1x8x4x128xf32, #tpu.memory_space<vmem>> -> memref<8x4x128xf32, #tpu.memory_space<vmem>>
    tpu.wait_dma2 semaphore(%dma_wait3A_183 : memref<!tpu.dma_semaphore, #tpu.memory_space<semaphore_mem>>) src(%dma_wait3A_192 : memref<8x4x128xf32, #tpu.memory_space<vmem>>) dst(%dma_wait3A_187 : memref<8x4x128xf32, #tpu.memory_space<hbm>>)
    return
  }
}

</mosaic_0001>

<sc_bundles>
// kernel: kernel.3.cloned.1.call-start
scs
__scs_entry_jumppad:
0x0: {  	(pc) =	sbr.rel $0x88, $3  }
0x1: {  	(tag) =	ssettag $0x0;
	lr =	simm.s32 $0x1  }
0x2: {  	[smem:$0x3F9D] =	sst lr;
	_ =	strace $0xD0000000  }
0x3: {  	_ = 	snop  }
0x4: {  	_ = 	snop  }
0x5: {  	_ = 	snop  }
0x6: {  	_ = 	snop  }
0x7: {  	_ = 	snop  }
__scs_overlays_trampoline_lowered:
0x8: {  	[smem:$0x3FAC] =	sst s0  }
0x9: {  	[smem:$0x3FAD] =	sst s1  }
0xa: {  	[smem:$0x3FAE] =	sst s2  }
0xb: {  	[smem:$0x3FAF] =	sst s3  }
0xc: {  	[smem:$0x3FB0] =	sst s4  }
0xd: {  	[smem:$0x3FB1] =	sst s5  }
0xe: {  	[smem:$0x3FB2] =	sst s6  }
0xf: {  	[smem:$0x3FB3] =	sst s7  }
0x10: {  	[smem:$0x3FB4] =	sst s8  }
0x11: {  	[smem:$0x3FB5] =	sst s9;
	s0 =	simm.s32 @!p0 $0x0  }
0x12: {  	s1 =	sld [smem:$0x3F9B];
	s0 =	simm.s32 @p0 $0x1  }
0x13: {  	[smem:$0x3FB6] =	sst s0;
	s0 =	simm.s32 @!p1 $0x0  }
0x14: {  	s2 =	sld [smem:$0x3F9A];
	s0 =	simm.s32 @p1 $0x1  }
0x15: {  	[smem:$0x3FB7] =	sst s0;
	s0 =	simm.s32 @!p2 $0x0  }
0x16: {  	s3 =	sld [smem:$0x3FDB];
	s0 =	simm.s32 @p2 $0x1  }
0x17: {  	s4 =	simm.s32 $0x1BF5;
	[smem:$0x3FB9] =	sst s0  }
0x18: {  	s0 =	sld [smem:$0x3F9C];
	_ =	swait.ge [sflag:s4], $0x0  }
0x19: {  	s7 =	sld [smem:$0x3F9D]  }
0x1a: {  	s8 =	sadd.s32 $0xFFFFE003, lr  }
0x1b: {  	s9 =	sadd.s32 $0xFFFFFEF7, lr;
	s5 =	simm.s32 $0xFFFFFFFF;
	p2 =	slt.u32 s8, $0xFFFFF086  }
0x1c: {  	p1 =	slt.u32 s9, $0xF7A;
	s5 =	simm.s32 @!p2 $0x0  }
0x1d: {  	s5 =	simm.s32 @p1 $0x1;
	p0 =	seq.s32 s7, s2  }
0x1e: {  	s7 =	smul.u32 @!p0 $0xF7A, s2;
	p2 =	seq.s32 @!p0 s5, $0x0  }
0x1f: {  	s9 =	smul.u32 $0xF7A, s1;
	s8 =	simm.s32 @!p0 $0x1BF5;
	p2 =	por !p2, p0  }
0x20: {  	[sflag:s8] =	ssyncset.s32 @!p0 $0xFFFFF086;
	s6 =	sadd.s32 @!p0 s3, s7;
	s7 =	simm.s32 @!p0 $0x108  }
0x21: {  	s3 =	sadd.s32 s3, s9;
	s6 =	sadd.s32 @!p0 $0x88, s6;
	s7 =	simm.s32 @p2 $0x1082  }
0x22: {  	[simem:s7], [sflag:s8] =	dma.local @!p0 [hbm:s6], $0xF7A  }
0x23: {  	s9 =	sor.u32 $0xD0000000, s2;
	s6 =	simm.s32 $0x108;
	_ =	swait.ge @!p0 [sflag:s8], $0x0  }
0x24: {  	s3 =	sadd.s32 $0x88, s3;
	s6 =	simm.s32 @!p1 $0x1082;
	[sflag:s4] =	ssyncset.s32 $0xFFFFF086  }
0x25: {  	[simem:s6], [sflag:s4] =	dma.local [hbm:s3], $0xF7A  }
0x26: {  	[smem:$0x3F9D] =	sst s1;
	(tag) =	ssettag s2;
	_ =	strace s9  }
0x27: {  	s1 =	sld [smem:$0x3FAD]  }
0x28: {  	s2 =	sld [smem:$0x3FAE]  }
0x29: {  	s4 =	sld [smem:$0x3FB0]  }
0x2a: {  	p0 =	seq.s32 s5, $0x0;
	s5 =	sld [smem:$0x3FB1]  }
0x2b: {  	s6 =	sld [smem:$0x3FB2]  }
0x2c: {  	s7 =	sld [smem:$0x3FB3]  }
0x2d: {  	s3 =	simm.s32 $0x108;
	s8 =	sld [smem:$0x3FB4]  }
0x2e: {  	s3 =	simm.s32 @!p0 $0x1082;
	s9 =	sld [smem:$0x3FB5]  }
0x2f: {  	lr =	sadd.s32 s0, s3;
	s0 =	sld [smem:$0x3FAC]  }
0x30: {  	s3 =	sld [smem:$0x3FAF]  }
0x31: {  	[smem:$0x3FB8] =	sst s10  }
0x32: {  	s10 =	sld [smem:$0x3FB6];
	_ =	sdelay $0x3  }
0x33: {  	p0 =	seq.s32 s10, $0x1;
	s10 =	sld [smem:$0x3FB8];
	_ =	sdelay $0x3  }
0x34: {  	[smem:$0x3FB8] =	sst s10  }
0x35: {  	s10 =	sld [smem:$0x3FB7];
	_ =	sdelay $0x3  }
0x36: {  	p1 =	seq.s32 s10, $0x1;
	s10 =	sld [smem:$0x3FB8];
	_ =	sdelay $0x3  }
0x37: {  	[smem:$0x3FB8] =	sst s10  }
0x38: {  	s10 =	sld [smem:$0x3FB9]  }
0x39: {  	_ = 	snop;
	(pc) =	sbr.ind lr, $3  }
0x3a: {  	_ = 	snop  }
0x3b: {  	_ = 	snop  }
0x3c: {  	p2 =	seq.s32 s10, $0x1;
	s10 =	sld [smem:$0x3FB8]  }
0x3d: {  	_ =	shalt  }
0x3e: {  	_ =	shalt  }
0x3f: {  	_ =	shalt  }
0x40: {  	_ =	shalt  }
0x41: {  	_ =	shalt  }
0x42: {  	_ =	shalt  }
0x43: {  	_ =	shalt  }
0x44: {  	_ =	shalt  }
0x45: {  	_ =	shalt  }
0x46: {  	_ =	shalt  }
0x47: {  	_ =	shalt  }
0x48: {  	_ =	shalt  }
0x49: {  	_ =	shalt  }
0x4a: {  	_ =	shalt  }
0x4b: {  	_ =	shalt  }
0x4c: {  	_ =	shalt  }
0x4d: {  	_ =	shalt  }
0x4e: {  	_ =	shalt  }
0x4f: {  	_ =	shalt  }
0x50: {  	_ =	shalt  }
0x51: {  	_ =	shalt  }
0x52: {  	_ =	shalt  }
0x53: {  	_ =	shalt  }
0x54: {  	_ =	shalt  }
0x55: {  	_ =	shalt  }
0x56: {  	_ =	shalt  }
0x57: {  	_ =	shalt  }
0x58: {  	_ =	shalt  }
0x59: {  	_ =	shalt  }
0x5a: {  	_ =	shalt  }
0x5b: {  	_ =	shalt  }
0x5c: {  	_ =	shalt  }
0x5d: {  	_ =	shalt  }
0x5e: {  	_ =	shalt  }
0x5f: {  	_ =	shalt  }
0x60: {  	_ =	shalt  }
0x61: {  	_ =	shalt  }
0x62: {  	_ =	shalt  }
0x63: {  	_ =	shalt  }
0x64: {  	_ =	shalt  }
0x65: {  	_ =	shalt  }
0x66: {  	_ =	shalt  }
0x67: {  	_ =	shalt  }
0x68: {  	_ =	shalt  }
0x69: {  	_ =	shalt  }
0x6a: {  	_ =	shalt  }
0x6b: {  	_ =	shalt  }
0x6c: {  	_ =	shalt  }
0x6d: {  	_ =	shalt  }
0x6e: {  	_ =	shalt  }
0x6f: {  	_ =	shalt  }
0x70: {  	_ =	shalt  }
0x71: {  	_ =	shalt  }
0x72: {  	_ =	shalt  }
0x73: {  	_ =	shalt  }
0x74: {  	_ =	shalt  }
0x75: {  	_ =	shalt  }
0x76: {  	_ =	shalt  }
0x77: {  	_ =	shalt  }
0x78: {  	_ =	shalt  }
0x79: {  	_ =	shalt  }
0x7a: {  	_ =	shalt  }
0x7b: {  	_ =	shalt  }
0x7c: {  	_ =	shalt  }
0x7d: {  	_ =	shalt  }
0x7e: {  	_ =	shalt  }
0x7f: {  	_ =	shalt  }
0x80: {  	_ =	shalt  }
0x81: {  	_ =	shalt  }
0x82: {  	_ =	shalt  }
0x83: {  	_ =	shalt  }
0x84: {  	_ =	shalt  }
0x85: {  	_ =	shalt  }
0x86: {  	_ =	shalt  }
0x87: {  	_ =	shalt  }
.Lfunc_end0:
.L_simem_size_0:
called_computation_lowered:
.L_overlay_start_0:
0x88: {  	s2 =	sld [smem:$0x3FD9]  }
0x89: {  	s3 =	sld [smem:$0x3FFE];
	_ =	sdelay $0x1  }
0x8a: {  	s1 =	srdreg.scid  }
0x8b: {  	s0 =	sand.u32 $0x1, s1  }
0x8c: {  	s17 =	sshll.u32 s0, $0xA;
	s2 =	sadd.s32 s3, s2  }
0x8d: {  	s2 =	sadd.s32 s2, s17  }
0x8e: {  	[smem:$0x3FC4] =	sst s2  }
0x8f: {  	_ = 	snop  }
0x90: {  	s2 =	sld [smem:$0x3FC9]  }
0x91: {  	s18 =	sld [smem:$0x3FC8]  }
0x92: {  	s4 =	sld [smem:$0x3FD0];
	(tm) =	ssettm $0x1  }
0x93: {  	s5 =	sld [smem:$0x3FFB];
	_ =	sdelay $0x3  }
0x94: {  	_ =	strace s5  }
0x95: {  	s5 =	sld [smem:$0x3FFC];
	_ =	sdelay $0x3  }
0x96: {  	_ =	strace s5  }
0x97: {  	s5 =	sld [smem:$0x3FFD];
	_ =	sdelay $0x3  }
0x98: {  	_ =	strace s5  }
0x99: {  	_ =	strace $0x8FFFFFFF  }
0x9a: {  	s19 =	sld [smem:$0x3FDB];
	_ =	sdelay $0x1  }
0x9b: {  	s6 =	simm.s32 $_scs_section_size  }
0x9c: {  	s7 =	simm.s32 $_size__tile_overlayer_lowered;
	s8 =	simm.s32 $_tile_overlayer_lowered  }
0x9d: {  	s22 =	simm.s32 $0x1BFF;
	s21 =	sshll.u32 s8, $0x1;
	s5 =	sadd.s32 s6, s19  }
0x9e: {  	s9 =	simm.s32 $0x0;
	s20 =	sshll.u32 s7, $0x1;
	s7 =	sadd.s32 s21, s5  }
0x9f: {  	[timem:s9], [sflag:s22] =	dma.local [hbm:s7], s20  }
0xa0: {  	_ =	swait.ge [sflag:s22], s20  }
0xa1: {  	s6 =	ssub.s32 $0x0, s20;
	[sflag:s22] =	ssyncset.done $0x0  }
0xa2: {  	[sflag:s22] =	ssyncadd.s32 s6;
	_ =	sdelay $0x1  }
0xa3: {  	s23 =	simm.s32 $0x1B8B  }
0xa4: {  	_ =	swait.ge [sflag:s23], $0x1  }
0xa5: {  	[sflag:s23] =	ssyncset.done $0x0  }
0xa6: {  	s25 =	simm.s32 $0x1B8E;
	s24 =	sld [smem:$0x3FFE];
	[sflag:s23] =	ssyncadd.s32 $0xFFFFFFFF  }
0xa7: {  	s26 =	simm.s32 $execute0_lowered;
	[smem:$0x3FD2] =	sst s25  }
0xa8: {  	s7 =	sshll.u32 s26, $0x1;
	_ =	strace $0x80000046;
	[dreg:$0x1] =	wrdreg $0xFFFFFFFF  }
0xa9: {  	s28 =	simm.s32 $_size_execute0_lowered;
	s5 =	sadd.s32 s5, s7;
	[dreg:$0x0] =	wrdreg $0x0  }
0xaa: {  	s7 =	sshll.u32 s28, $0x1;
	[dreg:$0x2] =	wrdreg s5  }
0xab: {  	[dreg:$0x3] =	wrdreg s7  }
0xac: {  	[dreg:$0x4] =	wrdreg $0xC0  }
0xad: {  	_ =	task [dreg:s9], $0x5FFFF  }
0xae: {  	[dreg:$0x1] =	wrdreg $0xFFFFFFFF  }
0xaf: {  	[dreg:$0x0] =	wrdreg $0x60  }
0xb0: {  	[dreg:$0x2] =	wrdreg s18  }
0xb1: {  	[dreg:$0x3] =	wrdreg s24  }
0xb2: {  	[dreg:$0x4] =	wrdreg s2  }
0xb3: {  	[dreg:$0x5] =	wrdreg s4  }
0xb4: {  	[dreg:$0x6] =	wrdreg $0x38800  }
0xb5: {  	[dreg:$0x7] =	wrdreg $0x9  }
0xb6: {  	_ =	task.clear_ibuf [dreg:s9], $0x8FFFF;
	_ =	strace $0x90000046  }
0xb7: {  	s29 =	simm.s32 $0x9;
	_ =	strace $0x80000048  }
0xb8: {  	_ =	swait.ge [sflag:s29], $0x1  }
0xb9: {  	[sflag:s29] =	ssyncadd.s32 $0xFFFFFFFF  }
0xba: {  	_ =	strace $0x90000048  }
0xbb: {  	_ =	sfence  }
0xbc: {  	s30 =	sld [smem:$0x0];
	_ =	sdelay $0x2  }
0xbd: {  	s31 =	sshll.u32 s1, $0xD;
	s1 =	sshrl.u32 s1, $0x2  }
0xbe: {  	s3 =	sand.u32 $0x4000, s31;
	s1 =	sadd.s32 s1, s30  }
0xbf: {  	s0 =	sor.u32 s3, s0;
	s1 =	sshll.u32 s1, $0x11  }
0xc0: {  	s0 =	sor.u32 s1, s0  }
0xc1: {  	s0 =	sadd.s32 $0x8F2B, s0  }
0xc2: {  	[sflag:s0] =	ssyncadd.remote.s32 $0x1  }
0xc3: {  	_ =	sfence.sel $0xFFFF  }
0xc4: {  	[dreg:$0x0] =	wrdreg $0xFFFFFFFF;
	(pc) =	sbr.abs _section_cstart, $3  }
0xc5: {  	[dreg:$0x1] =	wrdreg $0xFFFFFFFF  }
0xc6: {  	_ =	task.clear_ibuf [dreg:s9], $0x2FFFF;
	_ =	strace $0x9FFFFFFF  }
0xc7: {  	(tm) =	ssettm $0x7FFFFFFF  }
tec
execute0_lowered:
.L_overlay_start_1:
0x0: {  	(tag) =	ssettag $0x1  }
0x1: {  	s0 =	rddreg [dreg:$0x0]  }
0x2: {  	s5 =	rddreg [dreg:$0x1]  }
0x3: {  	s2 =	rddreg [dreg:$0x2]  }
0x4: {  	s4 =	rddreg [dreg:$0x3]  }
0x5: {  	s11 =	rddreg [dreg:$0x4];
	s1 =	srdreg.scid  }
0x6: {  	s10 =	stileid.u32;
	s6 =	simm.s32 $0x0;
	s8 =	simm.s32 $0x1  }
0x7: {  	s28 =	simm.s32 $0x7;
	s29 =	simm.s32 $0x8;
	s30 =	simm.s32 $0x5  }
0x8: {  	s31 =	simm.s32 $0x0;
	s1 =	sand.u32 $0x1, s1;
	s3 =	sshll.u32 s10, $0x1  }
0x9: {  	[smem:$0x7FF] =	sst s6;
	s5 =	sadd.s32 $0x800, s5;
	s23 =	sshll.u32 s10, $0x7  }
0xa: {  	s3 =	sor.u32 s1, s3;
	_ =	strace $0x80000047;
	p1 =	seq.s32 s1, $0x1  }
0xb: {  	[dreg:$0x6] =	wrdreg s5;
	s21 =	ssub.s32 $0x2, s1;
	s1 =	sshll.u32 s1, $0x9  }
0xc: {  	s25 =	sadd.s32 s23, s11;
	p0 =	seq.s32 s3, $0x0;
	s7 =	sshrl.u32 s21, $0x1  }
0xd: {  	s22 =	sshll.u32 s3, $0x9;
	s3 =	sshll.u32 s3, $0xC;
	p0 =	por !p0, !p1  }
0xe: {  	[dreg:$0xb] =	wrdreg s25;
	s25 =	simm.s32 $0x4000;
	p0 =	por !p0, !p0  }
0xf: {  	s5 =	ssub.s32 s21, s7;
	s14 =	sor.u32 $0x80000, s3;
	s8 =	simm.s32 @!p0 $0x0  }
0x10: {  	s21 =	simm.s32 $0x3800;
	s9 =	ssub.s32 s10, s8;
	s8 =	sadd.s32 s2, s22  }
0x11: {  	p1 =	seq.s32 s10, $0x7;
	s16 =	smax.u32 s5, $0x1;
	s7 =	sadd.s32 $0x4000, s8  }
0x12: {  	p0 =	sgt.u32 s10, $0x7;
	s12 =	sadd.s32 $0x8000, s8;
	[dreg:$0x7] =	wrdreg s7  }
0x13: {  	s22 =	simm.s32 $0x9;
	s24 =	sadd.s32 $0xC000, s8;
	[dreg:$0x8] =	wrdreg s12  }
0x14: {  	s26 =	sshll.u32 s9, $0xA;
	[dreg:$0x9] =	wrdreg s24;
	s12 =	sadd.s32 s0, s23  }
0x15: {  	s15 =	sor.u32 s1, s26;
	[dreg:$0xa] =	wrdreg s12;
	s0 =	sadd.s32 @!p1 $0x3000, s12  }
0x16: {  	v0 =	vimm.s32 $0x64;
	s24 =	simm.s32 $0x200;
	s26 =	simm.s32 $0x6;
	[dreg:$0xc] =	wrdreg s0  }
.LBB2_1:
0x17: {  	s0 =	simm.s32 $0x38C0  }
0x18: {  	[tilespmem:s0], [sflag:$0x1] =	stream.linear.gather [hbm4b:s8+s6], $0x1000, $0x38;
	[tilespmem:$0xB8C0] =	vst v63  }
0x19: {  	s13 =	rddreg [dreg:$0x7];
	s1 =	simm.s32 $0x48C0  }
0x1a: {  	[tilespmem:s1], [sflag:$0x2] =	stream.linear.gather [hbm4b:s13+s6], $0x1000, $0x38;
	[tilespmem:$0xB8C0] =	vst v63  }
0x1b: {  	s17 =	rddreg [dreg:$0x8];
	s18 =	simm.s32 $0x58C0  }
0x1c: {  	[tilespmem:s18], [sflag:$0x3] =	stream.linear.gather [hbm4b:s17+s6], $0x1000, $0x38;
	[tilespmem:$0xB8C0] =	vst v63  }
0x1d: {  	s19 =	rddreg [dreg:$0x9];
	s20 =	simm.s32 $0x68C0  }
0x1e: {  	[tilespmem:s20], [sflag:$0x4] =	stream.linear.gather [hbm4b:s19+s6], $0x1000, $0x38;
	[tilespmem:$0xB8C0] =	vst v63  }
.Ltmp0:
0x1f: {  	s23 =	rddreg [dreg:$0x6];
	(pc) =	sbr.rel @p0 .LBB2_5-.Ltmp0, $4  }
0x20: {  	[tilespmem:s21], [sflag:$0x9] =	stream.linear.gather [hbm4b:s23+s6], $0x80, $0x38;
	[tilespmem:$0xB8C0] =	vst v63  }
0x21: {  	_ =	swait.ge [sflag:s22], $0x80  }
0x22: {  	[sflag:s22] =	ssyncset.done $0x0  }
0x23: {  	[sflag:s22] =	ssyncadd.s32 $0xFFFFFF80  }
0x24: {  	s0 =	simm.s32 @p1 $0x0;
	s1 =	simm.s32 @p1 $0x400;
	s3 =	rddreg [dreg:$0x1]  }
0x25: {  	[tilespmem:s1], [sflag:$0x9] =	stream.linear.gather @p1 [hbm4b:s3+s0], $0x3200, $0x38;
	[tilespmem:$0xB8C0] =	vst v63  }
0x26: {  	s0 =	simm.s32 @!p1 $0x2000;
	s1 =	simm.s32 @!p1 $0x400;
	s3 =	rddreg [dreg:$0xa]  }
0x27: {  	[tilespmem:s1], [sflag:$0x9] =	stream.strided.gather @!p1 [hbm4b:s3+s1], $0x3000, s0, s1, $0x38;
	[tilespmem:$0xB8C0] =	vst v63  }
0x28: {  	s0 =	simm.s32 @!p1 $0x0;
	s1 =	simm.s32 @!p1 $0x3400;
	s3 =	rddreg [dreg:$0xc]  }
0x29: {  	[tilespmem:s1], [sflag:$0x9] =	stream.linear.gather @!p1 [hbm4b:s3+s0], $0x200, $0x38;
	[tilespmem:$0xB8C0] =	vst v63  }
0x2a: {  	_ =	swait.ge [sflag:s22], $0x3200  }
0x2b: {  	[sflag:s22] =	ssyncset.done $0x0  }
0x2c: {  	[sflag:s22] =	ssyncadd.s32 $0xFFFFCE00  }
0x2d: {  	s0 =	simm.s32 $0x480;
	v5 =	vld.idx.msk [tilespmem:v0+s21+$0x0], $0xffff  }
0x2e: {  	s20 =	simm.s32 $0x1;
	s23 =	simm.s32 $0x0;
	v11 =	vld [tilespmem:s0+$0x0]  }
0x2f: {  	v1 =	vmov s20;
	v2 =	vmov s23;
	v12 =	vld [tilespmem:s0+$0x10]  }
0x30: {  	v2 =	vand.u32 $0xFFFFFFFE, v2;
	v13 =	vld [tilespmem:s0+$0x20]  }
0x31: {  	v10 =	vbroadcast v2, $0x0;
	v14 =	vld [tilespmem:s0+$0x30]  }
0x32: {  	v15 =	vld [tilespmem:s0+$0x40]  }
0x33: {  	v16 =	vld [tilespmem:s0+$0x50];
	v9 =	vmov v5;
	v8 =	vmov v5  }
0x34: {  	s1 =	simm.s32 $0x2;
	v1 =	vld.idx.msk [tilespmem:v1+s21+$0x0], $0xffff;
	v7 =	vmovc v5;
	v6 =	vmovc v5;
	v4 =	vmov v5;
	v3 =	vmov v5;
	v2 =	vmov v5  }
.LBB2_3:
0x35: {  	p2 =	slt.u32 s1, $0x62;
	v17 =	vld [tilespmem:s0+$0xFFFFFF80]  }
0x36: {  	v18 =	vld [tilespmem:s0+$0xFFFFFF90]  }
0x37: {  	v19 =	vmov s1;
	v20 =	vld.idx.msk [tilespmem:v10+s21+$0x0], $0xffff  }
0x38: {  	v10 =	vand.u32 $0xFFFFFFFE, v19;
	v19 =	vld [tilespmem:s0+$0xFFFFFFA0]  }
0x39: {  	v10 =	vbroadcast v10, $0x0;
	v21 =	vld [tilespmem:s0+$0xFFFFFFB0]  }
0x3a: {  	v23 =	vmul.f32 v11, v1;
	v24 =	vmul.f32 v12, v1;
	v22 =	vld [tilespmem:s0+$0xFFFFFFC0]  }
0x3b: {  	v25 =	vmul.f32 v13, v1;
	v14 =	vmul.f32 v14, v1;
	v12 =	vld [tilespmem:s0+$0xFFFFFFD0]  }
0x3c: {  	v26 =	vmul.f32 v15, v1;
	v27 =	vmul.f32 v16, v1;
	v13 =	vld [tilespmem:s0+$0xFFFFFFE0]  }
0x3d: {  	s3 =	sadd.s32 $0x1, s1;
	v11 =	vmul.f32 v17, v20;
	v15 =	vmul.f32 v18, v20;
	v16 =	vld [tilespmem:s0+$0xFFFFFFF0]  }
0x3e: {  	v17 =	vmov s3;
	v18 =	vmul.f32 v19, v20;
	v19 =	vmul.f32 v21, v20;
	v21 =	vld [tilespmem:s0+$0x60]  }
0x3f: {  	v5 =	vadd.f32 v11, v5;
	v9 =	vadd.f32 v15, v9;
	v15 =	vmul.f32 v22, v20;
	v22 =	vld [tilespmem:s0+$0x70];
	s0 =	sadd.s32 $0x100, s0  }
0x40: {  	v8 =	vadd.f32 v18, v8;
	v11 =	vld [tilespmem:s0+$0x0];
	v7 =	vadd.f32 v19, v7;
	v18 =	vmul.f32 v12, v20  }
0x41: {  	v5 =	vadd.f32 v23, v5;
	v9 =	vadd.f32 v24, v9;
	v12 =	vld [tilespmem:s0+$0x10];
	v19 =	vmul.f32 v13, v20  }
.Ltmp1:
0x42: {  	v8 =	vadd.f32 v25, v8;
	v13 =	vld [tilespmem:s0+$0x20];
	v16 =	vmul.f32 v16, v20;
	v7 =	vadd.f32 v14, v7;
	(pc) =	sbr.rel @p2 .LBB2_3-.Ltmp1, $4  }
0x43: {  	v6 =	vadd.f32 v15, v6;
	v4 =	vadd.f32 v18, v4;
	v14 =	vld [tilespmem:s0+$0x30];
	v18 =	vmul.f32 v21, v1  }
0x44: {  	v3 =	vadd.f32 v19, v3;
	v15 =	vld [tilespmem:s0+$0x40];
	v2 =	vadd.f32 v16, v2;
	v19 =	vmul.f32 v22, v1  }
0x45: {  	v6 =	vadd.f32 v26, v6;
	v4 =	vadd.f32 v27, v4;
	v16 =	vld [tilespmem:s0+$0x50]  }
0x46: {  	s1 =	sadd.s32 $0x2, s1;
	v3 =	vadd.f32 v18, v3;
	v1 =	vld.idx.msk [tilespmem:v17+s21+$0x0], $0xffff;
	v2 =	vadd.f32 v19, v2  }
0x47: {  	_ =	sdelay $0x2  }
0x48: {  	v17 =	vld [tilespmem:s0+$0xFFFFFF80]  }
0x49: {  	v10 =	vld.idx.msk [tilespmem:v10+s21+$0x0], $0xffff  }
0x4a: {  	v18 =	vld [tilespmem:s0+$0xFFFFFF90]  }
0x4b: {  	v19 =	vld [tilespmem:s0+$0xFFFFFFA0]  }
0x4c: {  	v20 =	vld [tilespmem:s0+$0xFFFFFFB0]  }
0x4d: {  	v21 =	vld [tilespmem:s0+$0xFFFFFFC0];
	v11 =	vmul.f32 v11, v1;
	v12 =	vmul.f32 v12, v1  }
0x4e: {  	v22 =	vld [tilespmem:s0+$0xFFFFFFD0];
	v13 =	vmul.f32 v13, v1;
	v17 =	vmul.f32 v17, v10  }
0x4f: {  	v23 =	vld [tilespmem:s0+$0xFFFFFFE0];
	v14 =	vmul.f32 v14, v1;
	v18 =	vmul.f32 v18, v10  }
0x50: {  	v24 =	vld [tilespmem:s0+$0xFFFFFFF0];
	v15 =	vmul.f32 v15, v1;
	v19 =	vmul.f32 v19, v10;
	v5 =	vadd.f32 v17, v5  }
0x51: {  	v57 =	vld [tilespmem:s0+$0x60];
	v16 =	vmul.f32 v16, v1;
	v56 =	vmul.f32 v20, v10;
	v9 =	vadd.f32 v18, v9  }
0x52: {  	v59 =	vld [tilespmem:s0+$0x70];
	v58 =	vmul.f32 v21, v10;
	v8 =	vadd.f32 v19, v8;
	v5 =	vadd.f32 v11, v5  }
0x53: {  	v60 =	vmul.f32 v22, v10;
	v7 =	vadd.f32 v56, v7;
	v9 =	vadd.f32 v12, v9  }
0x54: {  	v61 =	vmul.f32 v23, v10;
	v6 =	vadd.f32 v58, v6;
	v8 =	vadd.f32 v13, v8;
	[tilespmem:$0x0] =	vst v5  }
0x55: {  	v62 =	vmul.f32 v24, v10;
	v4 =	vadd.f32 v60, v4;
	v7 =	vadd.f32 v14, v7;
	[tilespmem:$0x10] =	vst v9  }
0x56: {  	v63 =	vmul.f32 v57, v1;
	v3 =	vadd.f32 v61, v3;
	v6 =	vadd.f32 v15, v6;
	[tilespmem:$0x20] =	vst v8  }
0x57: {  	v1 =	vmul.f32 v59, v1;
	v2 =	vadd.f32 v62, v2;
	v4 =	vadd.f32 v16, v4;
	[tilespmem:$0x30] =	vst v7  }
0x58: {  	v3 =	vadd.f32 v63, v3;
	[tilespmem:$0x40] =	vst v6  }
0x59: {  	v1 =	vadd.f32 v1, v2;
	[tilespmem:$0x50] =	vst v4  }
0x5a: {  	[tilespmem:$0x60] =	vst v3  }
0x5b: {  	s23 =	rddreg [dreg:$0xb];
	[tilespmem:$0x70] =	vst v1  }
0x5c: {  	[spmem:s23] =	stream.linear.scatter [tilespmem:s6], [sflag:$0x9], $0x80, $0x38;
	[tilespmem:$0xB8C0] =	vst v63  }
0x5d: {  	_ =	swait.ge [sflag:s22], $0x80  }
0x5e: {  	[sflag:s22] =	ssyncset.done $0x0  }
0x5f: {  	[sflag:s22] =	ssyncadd.s32 $0xFFFFFF80  }
.LBB2_5:
0x60: {  	[bflag:$0x0] =	sbarrier.arrive $0xFFFF  }
0x61: {  	s0 =	simm.s32 $0x0;
	s1 =	rddreg [dreg:$0x4]  }
0x62: {  	[tilespmem:s0], [sflag:$0x9] =	stream.linear.gather [spmem:s1], $0x400, $0x38;
	[tilespmem:$0xB8C0] =	vst v63  }
0x63: {  	_ =	swait.ge [sflag:s22], $0x400  }
0x64: {  	[sflag:s22] =	ssyncset.done $0x0  }
0x65: {  	s3 =	simm.s32 $0x0;
	[sflag:s22] =	ssyncadd.s32 $0xFFFFFC00  }
.LBB2_6:
0x66: {  	s17 =	sand.u32 $0x3, s3  }
0x67: {  	s1 =	sadd.s32 $0x1, s17  }
0x68: {  	_ =	swait.ge [sflag:s1], $0x1000  }
0x69: {  	p2 =	slt.u32 s3, $0x4;
	[sflag:s1] =	ssyncset.done $0x0  }
0x6a: {  	s5 =	sadd.s32 @!p2 $0x5, s17;
	[sflag:s1] =	ssyncadd.s32 $0xFFFFF000  }
0x6b: {  	s7 =	sshll.u32 s0, $0xC;
	_ =	swait.ge @!p2 [sflag:s5], $0x1000  }
0x6c: {  	s7 =	sand.u32 $0x3000, s7;
	[sflag:s5] =	ssyncset.done @!p2 $0x0  }
0x6d: {  	s18 =	sor.u32 $0x40C0, s7;
	[sflag:s5] =	ssyncadd.s32 @!p2 $0xFFFFF000  }
0x6e: {  	v1 =	vld [tilespmem:s18+$0xFFFFF880];
	_ =	sdelay $0x6  }
0x6f: {  	v2 =	vld [tilespmem:s18+$0xFFFFF800]  }
0x70: {  	v1 =	vld.idx.msk [tilespmem:v1+s6+$0x0], $0xffff;
	_ =	sdelay $0x3  }
0x71: {  	s5 =	sadd.s32 $0x7AC0, s7  }
0x72: {  	[tilespmem:s5+$0x0] =	vst v1  }
0x73: {  	v1 =	vld [tilespmem:s18+$0xFFFFF890]  }
0x74: {  	v2 =	vld.idx.msk [tilespmem:v2+s6+$0x0], $0xffff;
	_ =	sdelay $0x4  }
0x75: {  	[tilespmem:s5+$0xFFFFFE00] =	vst v2  }
0x76: {  	v2 =	vld [tilespmem:s18+$0xFFFFF810]  }
0x77: {  	v1 =	vld.idx.msk [tilespmem:v1+s6+$0x0], $0xffff;
	_ =	sdelay $0x4  }
0x78: {  	[tilespmem:s5+$0x10] =	vst v1  }
0x79: {  	v1 =	vld [tilespmem:s18+$0xFFFFF8A0]  }
0x7a: {  	v2 =	vld.idx.msk [tilespmem:v2+s6+$0x0], $0xffff;
	_ =	sdelay $0x4  }
0x7b: {  	[tilespmem:s5+$0xFFFFFE10] =	vst v2  }
0x7c: {  	v2 =	vld [tilespmem:s18+$0xFFFFF820]  }
0x7d: {  	v1 =	vld.idx.msk [tilespmem:v1+s6+$0x0], $0xffff;
	_ =	sdelay $0x4  }
0x7e: {  	[tilespmem:s5+$0x20] =	vst v1  }
0x7f: {  	v1 =	vld [tilespmem:s18+$0xFFFFF8B0]  }
0x80: {  	v2 =	vld.idx.msk [tilespmem:v2+s6+$0x0], $0xffff;
	_ =	sdelay $0x4  }
0x81: {  	[tilespmem:s5+$0xFFFFFE20] =	vst v2  }
0x82: {  	v2 =	vld [tilespmem:s18+$0xFFFFF830]  }
0x83: {  	v1 =	vld.idx.msk [tilespmem:v1+s6+$0x0], $0xffff;
	_ =	sdelay $0x4  }
0x84: {  	[tilespmem:s5+$0x30] =	vst v1  }
0x85: {  	v1 =	vld [tilespmem:s18+$0xFFFFF8C0]  }
0x86: {  	v2 =	vld.idx.msk [tilespmem:v2+s6+$0x0], $0xffff;
	_ =	sdelay $0x4  }
0x87: {  	[tilespmem:s5+$0xFFFFFE30] =	vst v2  }
0x88: {  	v2 =	vld [tilespmem:s18+$0xFFFFF840]  }
0x89: {  	v1 =	vld.idx.msk [tilespmem:v1+s6+$0x0], $0xffff;
	_ =	sdelay $0x4  }
0x8a: {  	[tilespmem:s5+$0x40] =	vst v1  }
0x8b: {  	v1 =	vld [tilespmem:s18+$0xFFFFF8D0]  }
0x8c: {  	v2 =	vld.idx.msk [tilespmem:v2+s6+$0x0], $0xffff;
	_ =	sdelay $0x4  }
0x8d: {  	[tilespmem:s5+$0xFFFFFE40] =	vst v2  }
0x8e: {  	v2 =	vld [tilespmem:s18+$0xFFFFF850]  }
0x8f: {  	v1 =	vld.idx.msk [tilespmem:v1+s6+$0x0], $0xffff;
	_ =	sdelay $0x4  }
0x90: {  	[tilespmem:s5+$0x50] =	vst v1  }
0x91: {  	v1 =	vld [tilespmem:s18+$0xFFFFF8E0]  }
0x92: {  	v2 =	vld.idx.msk [tilespmem:v2+s6+$0x0], $0xffff;
	_ =	sdelay $0x4  }
0x93: {  	[tilespmem:s5+$0xFFFFFE50] =	vst v2  }
0x94: {  	v2 =	vld [tilespmem:s18+$0xFFFFF860]  }
0x95: {  	v1 =	vld.idx.msk [tilespmem:v1+s6+$0x0], $0xffff;
	_ =	sdelay $0x4  }
0x96: {  	[tilespmem:s5+$0x60] =	vst v1  }
0x97: {  	v1 =	vld [tilespmem:s18+$0xFFFFF8F0]  }
0x98: {  	v2 =	vld.idx.msk [tilespmem:v2+s6+$0x0], $0xffff;
	_ =	sdelay $0x4  }
0x99: {  	[tilespmem:s5+$0xFFFFFE60] =	vst v2  }
0x9a: {  	v2 =	vld [tilespmem:s18+$0xFFFFF870]  }
0x9b: {  	v1 =	vld.idx.msk [tilespmem:v1+s6+$0x0], $0xffff;
	_ =	sdelay $0x4  }
0x9c: {  	[tilespmem:s5+$0x70] =	vst v1  }
0x9d: {  	v1 =	vld [tilespmem:s18+$0xFFFFFC80]  }
0x9e: {  	v2 =	vld.idx.msk [tilespmem:v2+s6+$0x0], $0xffff;
	_ =	sdelay $0x4  }
0x9f: {  	[tilespmem:s5+$0xFFFFFE70] =	vst v2  }
0xa0: {  	v2 =	vld [tilespmem:s18+$0xFFFFFC00]  }
0xa1: {  	v1 =	vld.idx.msk [tilespmem:v1+s6+$0x0], $0xffff;
	_ =	sdelay $0x1  }
0xa2: {  	s20 =	sadd.s32 $0x100, s18  }
0xa3: {  	v3 =	vld [tilespmem:s20+$0xFFFFF880]  }
0xa4: {  	v4 =	vld [tilespmem:s20+$0xFFFFF800]  }
0xa5: {  	[tilespmem:s5+$0x80] =	vst v1  }
0xa6: {  	v1 =	vld [tilespmem:s18+$0xFFFFFC90]  }
0xa7: {  	v2 =	vld.idx.msk [tilespmem:v2+s6+$0x0], $0xffff;
	_ =	sdelay $0x3  }
0xa8: {  	v3 =	vld.idx.msk [tilespmem:v3+s6+$0x0], $0xffff  }
0xa9: {  	v4 =	vld.idx.msk [tilespmem:v4+s6+$0x0], $0xffff;
	[tilespmem:s5+$0xFFFFFE80] =	vst v2  }
0xaa: {  	v2 =	vld [tilespmem:s18+$0xFFFFFC10]  }
0xab: {  	v1 =	vld.idx.msk [tilespmem:v1+s6+$0x0], $0xffff  }
0xac: {  	s19 =	sadd.s32 $0x400, s5  }
0xad: {  	[tilespmem:s19+$0x0] =	vst v3  }
0xae: {  	[tilespmem:s19+$0xFFFFFE00] =	vst v4;
	v3 =	vld [tilespmem:s20+$0xFFFFF890]  }
0xaf: {  	v4 =	vld [tilespmem:s20+$0xFFFFF810]  }
0xb0: {  	[tilespmem:s5+$0x90] =	vst v1  }
0xb1: {  	v1 =	vld [tilespmem:s18+$0xFFFFFCA0]  }
0xb2: {  	v2 =	vld.idx.msk [tilespmem:v2+s6+$0x0], $0xffff;
	_ =	sdelay $0x3  }
0xb3: {  	v3 =	vld.idx.msk [tilespmem:v3+s6+$0x0], $0xffff  }
0xb4: {  	v4 =	vld.idx.msk [tilespmem:v4+s6+$0x0], $0xffff;
	[tilespmem:s5+$0xFFFFFE90] =	vst v2  }
0xb5: {  	v2 =	vld [tilespmem:s18+$0xFFFFFC20]  }
0xb6: {  	v1 =	vld.idx.msk [tilespmem:v1+s6+$0x0], $0xffff;
	_ =	sdelay $0x1  }
0xb7: {  	[tilespmem:s19+$0x10] =	vst v3  }
0xb8: {  	[tilespmem:s19+$0xFFFFFE10] =	vst v4;
	v3 =	vld [tilespmem:s20+$0xFFFFF8A0]  }
0xb9: {  	v4 =	vld [tilespmem:s20+$0xFFFFF820]  }
0xba: {  	[tilespmem:s5+$0xA0] =	vst v1  }
0xbb: {  	v1 =	vld [tilespmem:s18+$0xFFFFFCB0]  }
0xbc: {  	v2 =	vld.idx.msk [tilespmem:v2+s6+$0x0], $0xffff;
	_ =	sdelay $0x3  }
0xbd: {  	v3 =	vld.idx.msk [tilespmem:v3+s6+$0x0], $0xffff  }
0xbe: {  	v4 =	vld.idx.msk [tilespmem:v4+s6+$0x0], $0xffff;
	[tilespmem:s5+$0xFFFFFEA0] =	vst v2  }
0xbf: {  	v2 =	vld [tilespmem:s18+$0xFFFFFC30]  }
0xc0: {  	v1 =	vld.idx.msk [tilespmem:v1+s6+$0x0], $0xffff;
	_ =	sdelay $0x1  }
0xc1: {  	[tilespmem:s19+$0x20] =	vst v3  }
0xc2: {  	[tilespmem:s19+$0xFFFFFE20] =	vst v4;
	v3 =	vld [tilespmem:s20+$0xFFFFF8B0]  }
0xc3: {  	v4 =	vld [tilespmem:s20+$0xFFFFF830]  }
0xc4: {  	[tilespmem:s5+$0xB0] =	vst v1  }
0xc5: {  	v1 =	vld [tilespmem:s18+$0xFFFFFCC0]  }
0xc6: {  	v2 =	vld.idx.msk [tilespmem:v2+s6+$0x0], $0xffff;
	_ =	sdelay $0x3  }
0xc7: {  	v3 =	vld.idx.msk [tilespmem:v3+s6+$0x0], $0xffff  }
0xc8: {  	v4 =	vld.idx.msk [tilespmem:v4+s6+$0x0], $0xffff;
	[tilespmem:s5+$0xFFFFFEB0] =	vst v2  }
0xc9: {  	v2 =	vld [tilespmem:s18+$0xFFFFFC40]  }
0xca: {  	v1 =	vld.idx.msk [tilespmem:v1+s6+$0x0], $0xffff;
	_ =	sdelay $0x1  }
0xcb: {  	[tilespmem:s19+$0x30] =	vst v3  }
0xcc: {  	[tilespmem:s19+$0xFFFFFE30] =	vst v4;
	v3 =	vld [tilespmem:s20+$0xFFFFF8C0]  }
0xcd: {  	v4 =	vld [tilespmem:s20+$0xFFFFF840]  }
0xce: {  	[tilespmem:s5+$0xC0] =	vst v1  }
0xcf: {  	v1 =	vld [tilespmem:s18+$0xFFFFFCD0]  }
0xd0: {  	v2 =	vld.idx.msk [tilespmem:v2+s6+$0x0], $0xffff;
	_ =	sdelay $0x3  }
0xd1: {  	v3 =	vld.idx.msk [tilespmem:v3+s6+$0x0], $0xffff  }
0xd2: {  	v4 =	vld.idx.msk [tilespmem:v4+s6+$0x0], $0xffff;
	[tilespmem:s5+$0xFFFFFEC0] =	vst v2  }
0xd3: {  	v2 =	vld [tilespmem:s18+$0xFFFFFC50]  }
0xd4: {  	v1 =	vld.idx.msk [tilespmem:v1+s6+$0x0], $0xffff;
	_ =	sdelay $0x1  }
0xd5: {  	[tilespmem:s19+$0x40] =	vst v3  }
0xd6: {  	[tilespmem:s19+$0xFFFFFE40] =	vst v4;
	v3 =	vld [tilespmem:s20+$0xFFFFF8D0]  }
0xd7: {  	v4 =	vld [tilespmem:s20+$0xFFFFF850]  }
0xd8: {  	[tilespmem:s5+$0xD0] =	vst v1  }
0xd9: {  	v1 =	vld [tilespmem:s18+$0xFFFFFCE0]  }
0xda: {  	v2 =	vld.idx.msk [tilespmem:v2+s6+$0x0], $0xffff;
	_ =	sdelay $0x3  }
0xdb: {  	v3 =	vld.idx.msk [tilespmem:v3+s6+$0x0], $0xffff  }
0xdc: {  	v4 =	vld.idx.msk [tilespmem:v4+s6+$0x0], $0xffff;
	[tilespmem:s5+$0xFFFFFED0] =	vst v2  }
0xdd: {  	v2 =	vld [tilespmem:s18+$0xFFFFFC60]  }
0xde: {  	v1 =	vld.idx.msk [tilespmem:v1+s6+$0x0], $0xffff;
	_ =	sdelay $0x1  }
0xdf: {  	[tilespmem:s19+$0x50] =	vst v3  }
0xe0: {  	[tilespmem:s19+$0xFFFFFE50] =	vst v4;
	v3 =	vld [tilespmem:s20+$0xFFFFF8E0]  }
0xe1: {  	v4 =	vld [tilespmem:s20+$0xFFFFF860]  }
0xe2: {  	[tilespmem:s5+$0xE0] =	vst v1  }
0xe3: {  	v1 =	vld [tilespmem:s18+$0xFFFFFCF0]  }
0xe4: {  	v2 =	vld.idx.msk [tilespmem:v2+s6+$0x0], $0xffff;
	_ =	sdelay $0x3  }
0xe5: {  	v3 =	vld.idx.msk [tilespmem:v3+s6+$0x0], $0xffff  }
0xe6: {  	v4 =	vld.idx.msk [tilespmem:v4+s6+$0x0], $0xffff;
	[tilespmem:s5+$0xFFFFFEE0] =	vst v2  }
0xe7: {  	v2 =	vld [tilespmem:s18+$0xFFFFFC70]  }
0xe8: {  	v1 =	vld.idx.msk [tilespmem:v1+s6+$0x0], $0xffff;
	_ =	sdelay $0x1  }
0xe9: {  	[tilespmem:s19+$0x60] =	vst v3  }
0xea: {  	[tilespmem:s19+$0xFFFFFE60] =	vst v4;
	v3 =	vld [tilespmem:s20+$0xFFFFF8F0]  }
0xeb: {  	v4 =	vld [tilespmem:s20+$0xFFFFF870]  }
0xec: {  	[tilespmem:s5+$0xF0] =	vst v1  }
0xed: {  	v1 =	vld [tilespmem:s18+$0x80]  }
0xee: {  	v2 =	vld.idx.msk [tilespmem:v2+s6+$0x0], $0xffff;
	_ =	sdelay $0x3  }
0xef: {  	v3 =	vld.idx.msk [tilespmem:v3+s6+$0x0], $0xffff  }
0xf0: {  	v4 =	vld.idx.msk [tilespmem:v4+s6+$0x0], $0xffff;
	[tilespmem:s5+$0xFFFFFEF0] =	vst v2  }
0xf1: {  	v2 =	vld [tilespmem:s18+$0x0]  }
0xf2: {  	v1 =	vld.idx.msk [tilespmem:v1+s6+$0x0], $0xffff;
	_ =	sdelay $0x1  }
0xf3: {  	[tilespmem:s19+$0x70] =	vst v3  }
0xf4: {  	[tilespmem:s19+$0xFFFFFE70] =	vst v4;
	v3 =	vld [tilespmem:s20+$0xFFFFFC80]  }
0xf5: {  	v4 =	vld [tilespmem:s20+$0xFFFFFC00]  }
0xf6: {  	[tilespmem:s5+$0x100] =	vst v1  }
0xf7: {  	v1 =	vld [tilespmem:s18+$0x90]  }
0xf8: {  	v2 =	vld.idx.msk [tilespmem:v2+s6+$0x0], $0xffff;
	_ =	sdelay $0x3  }
0xf9: {  	v3 =	vld.idx.msk [tilespmem:v3+s6+$0x0], $0xffff  }
0xfa: {  	v4 =	vld.idx.msk [tilespmem:v4+s6+$0x0], $0xffff;
	[tilespmem:s5+$0xFFFFFF00] =	vst v2  }
0xfb: {  	v2 =	vld [tilespmem:s18+$0x10]  }
0xfc: {  	s13 =	sadd.s32 $0x100, s20;
	v1 =	vld.idx.msk [tilespmem:v1+s6+$0x0], $0xffff  }
0xfd: {  	v5 =	vld [tilespmem:s13+$0xFFFFF880]  }
0xfe: {  	v6 =	vld [tilespmem:s13+$0xFFFFF800];
	[tilespmem:s19+$0x80] =	vst v3  }
0xff: {  	[tilespmem:s19+$0xFFFFFE80] =	vst v4;
	v3 =	vld [tilespmem:s20+$0xFFFFFC90]  }
0x100: {  	v4 =	vld [tilespmem:s20+$0xFFFFFC10]  }
0x101: {  	[tilespmem:s5+$0x110] =	vst v1  }
0x102: {  	v1 =	vld [tilespmem:s18+$0xA0]  }
0x103: {  	v2 =	vld.idx.msk [tilespmem:v2+s6+$0x0], $0xffff;
	_ =	sdelay $0x1  }
0x104: {  	v5 =	vld.idx.msk [tilespmem:v5+s6+$0x0], $0xffff  }
0x105: {  	v6 =	vld.idx.msk [tilespmem:v6+s6+$0x0], $0xffff  }
0x106: {  	v3 =	vld.idx.msk [tilespmem:v3+s6+$0x0], $0xffff  }
0x107: {  	v4 =	vld.idx.msk [tilespmem:v4+s6+$0x0], $0xffff;
	[tilespmem:s5+$0xFFFFFF10] =	vst v2  }
0x108: {  	s7 =	sadd.s32 $0x400, s19;
	v2 =	vld [tilespmem:s18+$0x20]  }
0x109: {  	[tilespmem:s7+$0x0] =	vst v5;
	v1 =	vld.idx.msk [tilespmem:v1+s6+$0x0], $0xffff  }
0x10a: {  	[tilespmem:s7+$0xFFFFFE00] =	vst v6;
	v5 =	vld [tilespmem:s13+$0xFFFFF890]  }
0x10b: {  	v6 =	vld [tilespmem:s13+$0xFFFFF810];
	[tilespmem:s19+$0x90] =	vst v3  }
0x10c: {  	[tilespmem:s19+$0xFFFFFE90] =	vst v4;
	v3 =	vld [tilespmem:s20+$0xFFFFFCA0]  }
0x10d: {  	v4 =	vld [tilespmem:s20+$0xFFFFFC20]  }
0x10e: {  	[tilespmem:s5+$0x120] =	vst v1  }
0x10f: {  	v1 =	vld [tilespmem:s18+$0xB0]  }
0x110: {  	v2 =	vld.idx.msk [tilespmem:v2+s6+$0x0], $0xffff;
	_ =	sdelay $0x1  }
0x111: {  	v5 =	vld.idx.msk [tilespmem:v5+s6+$0x0], $0xffff  }
0x112: {  	v6 =	vld.idx.msk [tilespmem:v6+s6+$0x0], $0xffff  }
0x113: {  	v3 =	vld.idx.msk [tilespmem:v3+s6+$0x0], $0xffff  }
0x114: {  	v4 =	vld.idx.msk [tilespmem:v4+s6+$0x0], $0xffff;
	[tilespmem:s5+$0xFFFFFF20] =	vst v2  }
0x115: {  	v2 =	vld [tilespmem:s18+$0x30]  }
0x116: {  	[tilespmem:s7+$0x10] =	vst v5;
	v1 =	vld.idx.msk [tilespmem:v1+s6+$0x0], $0xffff  }
0x117: {  	[tilespmem:s7+$0xFFFFFE10] =	vst v6;
	v5 =	vld [tilespmem:s13+$0xFFFFF8A0]  }
0x118: {  	v6 =	vld [tilespmem:s13+$0xFFFFF820];
	[tilespmem:s19+$0xA0] =	vst v3  }
0x119: {  	[tilespmem:s19+$0xFFFFFEA0] =	vst v4;
	v3 =	vld [tilespmem:s20+$0xFFFFFCB0]  }
0x11a: {  	v4 =	vld [tilespmem:s20+$0xFFFFFC30]  }
0x11b: {  	[tilespmem:s5+$0x130] =	vst v1  }
0x11c: {  	v1 =	vld [tilespmem:s18+$0xC0]  }
0x11d: {  	v2 =	vld.idx.msk [tilespmem:v2+s6+$0x0], $0xffff;
	_ =	sdelay $0x1  }
0x11e: {  	v5 =	vld.idx.msk [tilespmem:v5+s6+$0x0], $0xffff  }
0x11f: {  	v6 =	vld.idx.msk [tilespmem:v6+s6+$0x0], $0xffff  }
0x120: {  	v3 =	vld.idx.msk [tilespmem:v3+s6+$0x0], $0xffff  }
0x121: {  	v4 =	vld.idx.msk [tilespmem:v4+s6+$0x0], $0xffff;
	[tilespmem:s5+$0xFFFFFF30] =	vst v2  }
0x122: {  	v2 =	vld [tilespmem:s18+$0x40]  }
0x123: {  	[tilespmem:s7+$0x20] =	vst v5;
	v1 =	vld.idx.msk [tilespmem:v1+s6+$0x0], $0xffff  }
0x124: {  	[tilespmem:s7+$0xFFFFFE20] =	vst v6;
	v5 =	vld [tilespmem:s13+$0xFFFFF8B0]  }
0x125: {  	v6 =	vld [tilespmem:s13+$0xFFFFF830];
	[tilespmem:s19+$0xB0] =	vst v3  }
0x126: {  	[tilespmem:s19+$0xFFFFFEB0] =	vst v4;
	v3 =	vld [tilespmem:s20+$0xFFFFFCC0]  }
0x127: {  	v4 =	vld [tilespmem:s20+$0xFFFFFC40]  }
0x128: {  	[tilespmem:s5+$0x140] =	vst v1  }
0x129: {  	v1 =	vld [tilespmem:s18+$0xD0]  }
0x12a: {  	v2 =	vld.idx.msk [tilespmem:v2+s6+$0x0], $0xffff;
	_ =	sdelay $0x1  }
0x12b: {  	v5 =	vld.idx.msk [tilespmem:v5+s6+$0x0], $0xffff  }
0x12c: {  	v6 =	vld.idx.msk [tilespmem:v6+s6+$0x0], $0xffff  }
0x12d: {  	v3 =	vld.idx.msk [tilespmem:v3+s6+$0x0], $0xffff  }
0x12e: {  	v4 =	vld.idx.msk [tilespmem:v4+s6+$0x0], $0xffff;
	[tilespmem:s5+$0xFFFFFF40] =	vst v2  }
0x12f: {  	v2 =	vld [tilespmem:s18+$0x50]  }
0x130: {  	[tilespmem:s7+$0x30] =	vst v5;
	v1 =	vld.idx.msk [tilespmem:v1+s6+$0x0], $0xffff  }
0x131: {  	[tilespmem:s7+$0xFFFFFE30] =	vst v6;
	v5 =	vld [tilespmem:s13+$0xFFFFF8C0]  }
0x132: {  	v6 =	vld [tilespmem:s13+$0xFFFFF840];
	[tilespmem:s19+$0xC0] =	vst v3  }
0x133: {  	[tilespmem:s19+$0xFFFFFEC0] =	vst v4;
	v3 =	vld [tilespmem:s20+$0xFFFFFCD0]  }
0x134: {  	v4 =	vld [tilespmem:s20+$0xFFFFFC50]  }
0x135: {  	[tilespmem:s5+$0x150] =	vst v1  }
0x136: {  	v1 =	vld [tilespmem:s18+$0xE0]  }
0x137: {  	v2 =	vld.idx.msk [tilespmem:v2+s6+$0x0], $0xffff;
	_ =	sdelay $0x1  }
0x138: {  	v5 =	vld.idx.msk [tilespmem:v5+s6+$0x0], $0xffff  }
0x139: {  	v6 =	vld.idx.msk [tilespmem:v6+s6+$0x0], $0xffff  }
0x13a: {  	v3 =	vld.idx.msk [tilespmem:v3+s6+$0x0], $0xffff  }
0x13b: {  	v4 =	vld.idx.msk [tilespmem:v4+s6+$0x0], $0xffff;
	[tilespmem:s5+$0xFFFFFF50] =	vst v2  }
0x13c: {  	v2 =	vld [tilespmem:s18+$0x60]  }
0x13d: {  	[tilespmem:s7+$0x40] =	vst v5;
	v1 =	vld.idx.msk [tilespmem:v1+s6+$0x0], $0xffff  }
0x13e: {  	[tilespmem:s7+$0xFFFFFE40] =	vst v6;
	v5 =	vld [tilespmem:s13+$0xFFFFF8D0]  }
0x13f: {  	v6 =	vld [tilespmem:s13+$0xFFFFF850];
	[tilespmem:s19+$0xD0] =	vst v3  }
0x140: {  	[tilespmem:s19+$0xFFFFFED0] =	vst v4;
	v3 =	vld [tilespmem:s20+$0xFFFFFCE0]  }
0x141: {  	v4 =	vld [tilespmem:s20+$0xFFFFFC60]  }
0x142: {  	[tilespmem:s5+$0x160] =	vst v1  }
0x143: {  	v1 =	vld [tilespmem:s18+$0xF0]  }
0x144: {  	v2 =	vld.idx.msk [tilespmem:v2+s6+$0x0], $0xffff;
	_ =	sdelay $0x1  }
0x145: {  	v5 =	vld.idx.msk [tilespmem:v5+s6+$0x0], $0xffff  }
0x146: {  	v6 =	vld.idx.msk [tilespmem:v6+s6+$0x0], $0xffff  }
0x147: {  	v3 =	vld.idx.msk [tilespmem:v3+s6+$0x0], $0xffff  }
0x148: {  	v4 =	vld.idx.msk [tilespmem:v4+s6+$0x0], $0xffff;
	[tilespmem:s5+$0xFFFFFF60] =	vst v2  }
0x149: {  	v2 =	vld [tilespmem:s18+$0x70]  }
0x14a: {  	[tilespmem:s7+$0x50] =	vst v5;
	v1 =	vld.idx.msk [tilespmem:v1+s6+$0x0], $0xffff  }
0x14b: {  	[tilespmem:s7+$0xFFFFFE50] =	vst v6;
	v5 =	vld [tilespmem:s13+$0xFFFFF8E0]  }
0x14c: {  	v6 =	vld [tilespmem:s13+$0xFFFFF860];
	[tilespmem:s19+$0xE0] =	vst v3  }
0x14d: {  	[tilespmem:s19+$0xFFFFFEE0] =	vst v4;
	v3 =	vld [tilespmem:s20+$0xFFFFFCF0]  }
0x14e: {  	v4 =	vld [tilespmem:s20+$0xFFFFFC70]  }
0x14f: {  	[tilespmem:s5+$0x170] =	vst v1  }
0x150: {  	v1 =	vld [tilespmem:s18+$0x480]  }
0x151: {  	v2 =	vld.idx.msk [tilespmem:v2+s6+$0x0], $0xffff;
	_ =	sdelay $0x1  }
0x152: {  	v5 =	vld.idx.msk [tilespmem:v5+s6+$0x0], $0xffff  }
0x153: {  	v6 =	vld.idx.msk [tilespmem:v6+s6+$0x0], $0xffff  }
0x154: {  	v3 =	vld.idx.msk [tilespmem:v3+s6+$0x0], $0xffff  }
0x155: {  	v4 =	vld.idx.msk [tilespmem:v4+s6+$0x0], $0xffff;
	[tilespmem:s5+$0xFFFFFF70] =	vst v2  }
0x156: {  	v2 =	vld [tilespmem:s18+$0x400]  }
0x157: {  	[tilespmem:s7+$0x60] =	vst v5;
	v1 =	vld.idx.msk [tilespmem:v1+s6+$0x0], $0xffff  }
0x158: {  	[tilespmem:s7+$0xFFFFFE60] =	vst v6;
	v5 =	vld [tilespmem:s13+$0xFFFFF8F0]  }
0x159: {  	v6 =	vld [tilespmem:s13+$0xFFFFF870];
	[tilespmem:s19+$0xF0] =	vst v3  }
0x15a: {  	[tilespmem:s19+$0xFFFFFEF0] =	vst v4;
	v3 =	vld [tilespmem:s20+$0x80]  }
0x15b: {  	v4 =	vld [tilespmem:s20+$0x0]  }
0x15c: {  	[tilespmem:s5+$0x180] =	vst v1  }
0x15d: {  	v1 =	vld [tilespmem:s18+$0x490]  }
0x15e: {  	v2 =	vld.idx.msk [tilespmem:v2+s6+$0x0], $0xffff;
	_ =	sdelay $0x1  }
0x15f: {  	v5 =	vld.idx.msk [tilespmem:v5+s6+$0x0], $0xffff  }
0x160: {  	v6 =	vld.idx.msk [tilespmem:v6+s6+$0x0], $0xffff  }
0x161: {  	v3 =	vld.idx.msk [tilespmem:v3+s6+$0x0], $0xffff  }
0x162: {  	v4 =	vld.idx.msk [tilespmem:v4+s6+$0x0], $0xffff;
	[tilespmem:s5+$0xFFFFFF80] =	vst v2  }
0x163: {  	v2 =	vld [tilespmem:s18+$0x410]  }
0x164: {  	[tilespmem:s7+$0x70] =	vst v5;
	v1 =	vld.idx.msk [tilespmem:v1+s6+$0x0], $0xffff  }
0x165: {  	[tilespmem:s7+$0xFFFFFE70] =	vst v6;
	v5 =	vld [tilespmem:s13+$0xFFFFFC80]  }
0x166: {  	v6 =	vld [tilespmem:s13+$0xFFFFFC00];
	[tilespmem:s19+$0x100] =	vst v3  }
0x167: {  	[tilespmem:s19+$0xFFFFFF00] =	vst v4;
	v3 =	vld [tilespmem:s20+$0x90]  }
0x168: {  	v4 =	vld [tilespmem:s20+$0x10]  }
0x169: {  	[tilespmem:s5+$0x190] =	vst v1  }
0x16a: {  	v7 =	vld [tilespmem:s18+$0x4A0]  }
0x16b: {  	v2 =	vld.idx.msk [tilespmem:v2+s6+$0x0], $0xffff;
	_ =	sdelay $0x1  }
0x16c: {  	v5 =	vld.idx.msk [tilespmem:v5+s6+$0x0], $0xffff  }
0x16d: {  	v6 =	vld.idx.msk [tilespmem:v6+s6+$0x0], $0xffff  }
0x16e: {  	v3 =	vld.idx.msk [tilespmem:v3+s6+$0x0], $0xffff  }
0x16f: {  	s9 =	sshll.u32 s17, $0xC;
	v4 =	vld.idx.msk [tilespmem:v4+s6+$0x0], $0xffff;
	[tilespmem:s5+$0xFFFFFF90] =	vst v2  }
0x170: {  	s10 =	simm.s32 $0x4;
	s23 =	sadd.s32 $0x38C0, s9;
	v1 =	vld [tilespmem:s18+$0x420]  }
0x171: {  	s12 =	sadd.s32 $0x78C0, s9;
	s11 =	sadd.s32 $0x100, s13;
	s9 =	smov.u32 s7;
	v2 =	vld.idx.msk [tilespmem:v7+s6+$0x0], $0xffff  }
.LBB2_7:
0x172: {  	v7 =	vld [tilespmem:s11+$0xFFFFF880];
	s10 =	sadd.s32 $0x2, s10  }
0x173: {  	v8 =	vld [tilespmem:s11+$0xFFFFF800];
	p2 =	slt.u32 s10, $0x6;
	[tilespmem:s7+$0x80] =	vst v5  }
0x174: {  	[tilespmem:s7+$0xFFFFFE80] =	vst v6;
	v5 =	vld [tilespmem:s13+$0xFFFFFC90]  }
0x175: {  	v6 =	vld [tilespmem:s13+$0xFFFFFC10];
	[tilespmem:s19+$0x110] =	vst v3  }
0x176: {  	[tilespmem:s19+$0xFFFFFF10] =	vst v4;
	v3 =	vld [tilespmem:s20+$0xA0]  }
0x177: {  	v4 =	vld [tilespmem:s20+$0x20];
	[tilespmem:s5+$0x1A0] =	vst v2  }
0x178: {  	v2 =	vld [tilespmem:s18+$0x4B0]  }
0x179: {  	v1 =	vld.idx.msk [tilespmem:v1+s6+$0x0], $0xffff  }
0x17a: {  	v7 =	vld.idx.msk [tilespmem:v7+s6+$0x0], $0xffff  }
0x17b: {  	v8 =	vld.idx.msk [tilespmem:v8+s6+$0x0], $0xffff  }
0x17c: {  	v5 =	vld.idx.msk [tilespmem:v5+s6+$0x0], $0xffff  }
0x17d: {  	v6 =	vld.idx.msk [tilespmem:v6+s6+$0x0], $0xffff  }
0x17e: {  	v3 =	vld.idx.msk [tilespmem:v3+s6+$0x0], $0xffff  }
0x17f: {  	s7 =	sadd.s32 $0x400, s7;
	v4 =	vld.idx.msk [tilespmem:v4+s6+$0x0], $0xffff;
	[tilespmem:s5+$0xFFFFFFA0] =	vst v1  }
0x180: {  	[tilespmem:s7+$0x0] =	vst v7;
	v1 =	vld.idx.msk [tilespmem:v2+s6+$0x0], $0xffff  }
0x181: {  	[tilespmem:s7+$0xFFFFFE00] =	vst v8;
	v2 =	vld [tilespmem:s11+$0xFFFFF890]  }
0x182: {  	v7 =	vld [tilespmem:s11+$0xFFFFF810];
	[tilespmem:s9+$0x90] =	vst v5  }
0x183: {  	[tilespmem:s9+$0xFFFFFE90] =	vst v6;
	v5 =	vld [tilespmem:s13+$0xFFFFFCA0]  }
0x184: {  	v6 =	vld [tilespmem:s13+$0xFFFFFC20];
	[tilespmem:s19+$0x120] =	vst v3  }
0x185: {  	[tilespmem:s19+$0xFFFFFF20] =	vst v4;
	v3 =	vld [tilespmem:s20+$0xB0]  }
0x186: {  	v4 =	vld [tilespmem:s20+$0x30];
	[tilespmem:s5+$0x1B0] =	vst v1  }
0x187: {  	v1 =	vld [tilespmem:s18+$0x4C0]  }
0x188: {  	v8 =	vld [tilespmem:s18+$0x430]  }
0x189: {  	v2 =	vld.idx.msk [tilespmem:v2+s6+$0x0], $0xffff  }
0x18a: {  	v7 =	vld.idx.msk [tilespmem:v7+s6+$0x0], $0xffff  }
0x18b: {  	v5 =	vld.idx.msk [tilespmem:v5+s6+$0x0], $0xffff  }
0x18c: {  	v6 =	vld.idx.msk [tilespmem:v6+s6+$0x0], $0xffff  }
0x18d: {  	v3 =	vld.idx.msk [tilespmem:v3+s6+$0x0], $0xffff  }
0x18e: {  	v4 =	vld.idx.msk [tilespmem:v4+s6+$0x0], $0xffff  }
0x18f: {  	[tilespmem:s7+$0x10] =	vst v2;
	v1 =	vld.idx.msk [tilespmem:v1+s6+$0x0], $0xffff  }
0x190: {  	[tilespmem:s7+$0xFFFFFE10] =	vst v7;
	v2 =	vld [tilespmem:s11+$0xFFFFF8A0]  }
0x191: {  	v7 =	vld [tilespmem:s11+$0xFFFFF820];
	[tilespmem:s9+$0xA0] =	vst v5  }
0x192: {  	[tilespmem:s9+$0xFFFFFEA0] =	vst v6;
	v5 =	vld [tilespmem:s13+$0xFFFFFCB0]  }
0x193: {  	v6 =	vld [tilespmem:s13+$0xFFFFFC30];
	[tilespmem:s19+$0x130] =	vst v3  }
0x194: {  	[tilespmem:s19+$0xFFFFFF30] =	vst v4;
	v3 =	vld [tilespmem:s20+$0xC0]  }
0x195: {  	v4 =	vld [tilespmem:s20+$0x40];
	[tilespmem:s5+$0x1C0] =	vst v1  }
0x196: {  	v1 =	vld [tilespmem:s18+$0x4D0]  }
0x197: {  	v8 =	vld.idx.msk [tilespmem:v8+s6+$0x0], $0xffff  }
0x198: {  	v2 =	vld.idx.msk [tilespmem:v2+s6+$0x0], $0xffff  }
0x199: {  	v7 =	vld.idx.msk [tilespmem:v7+s6+$0x0], $0xffff  }
0x19a: {  	v5 =	vld.idx.msk [tilespmem:v5+s6+$0x0], $0xffff  }
0x19b: {  	v6 =	vld.idx.msk [tilespmem:v6+s6+$0x0], $0xffff  }
0x19c: {  	v3 =	vld.idx.msk [tilespmem:v3+s6+$0x0], $0xffff  }
0x19d: {  	v4 =	vld.idx.msk [tilespmem:v4+s6+$0x0], $0xffff;
	[tilespmem:s5+$0xFFFFFFB0] =	vst v8  }
0x19e: {  	[tilespmem:s7+$0x20] =	vst v2;
	v1 =	vld.idx.msk [tilespmem:v1+s6+$0x0], $0xffff  }
0x19f: {  	[tilespmem:s7+$0xFFFFFE20] =	vst v7;
	v2 =	vld [tilespmem:s11+$0xFFFFF8B0]  }
0x1a0: {  	v7 =	vld [tilespmem:s11+$0xFFFFF830];
	[tilespmem:s9+$0xB0] =	vst v5  }
0x1a1: {  	[tilespmem:s9+$0xFFFFFEB0] =	vst v6;
	v5 =	vld [tilespmem:s13+$0xFFFFFCC0]  }
0x1a2: {  	v6 =	vld [tilespmem:s13+$0xFFFFFC40];
	[tilespmem:s19+$0x140] =	vst v3  }
0x1a3: {  	[tilespmem:s19+$0xFFFFFF40] =	vst v4;
	v3 =	vld [tilespmem:s20+$0xD0]  }
0x1a4: {  	v4 =	vld [tilespmem:s20+$0x50];
	[tilespmem:s5+$0x1D0] =	vst v1  }
0x1a5: {  	v1 =	vld [tilespmem:s18+$0x4E0]  }
0x1a6: {  	v8 =	vld [tilespmem:s18+$0x440]  }
0x1a7: {  	v2 =	vld.idx.msk [tilespmem:v2+s6+$0x0], $0xffff  }
0x1a8: {  	v7 =	vld.idx.msk [tilespmem:v7+s6+$0x0], $0xffff  }
0x1a9: {  	v5 =	vld.idx.msk [tilespmem:v5+s6+$0x0], $0xffff  }
0x1aa: {  	v6 =	vld.idx.msk [tilespmem:v6+s6+$0x0], $0xffff  }
0x1ab: {  	v3 =	vld.idx.msk [tilespmem:v3+s6+$0x0], $0xffff  }
0x1ac: {  	v4 =	vld.idx.msk [tilespmem:v4+s6+$0x0], $0xffff  }
0x1ad: {  	[tilespmem:s7+$0x30] =	vst v2;
	v1 =	vld.idx.msk [tilespmem:v1+s6+$0x0], $0xffff  }
0x1ae: {  	[tilespmem:s7+$0xFFFFFE30] =	vst v7;
	v2 =	vld [tilespmem:s11+$0xFFFFF8C0]  }
0x1af: {  	v7 =	vld [tilespmem:s11+$0xFFFFF840];
	[tilespmem:s9+$0xC0] =	vst v5  }
0x1b0: {  	[tilespmem:s9+$0xFFFFFEC0] =	vst v6;
	v5 =	vld [tilespmem:s13+$0xFFFFFCD0]  }
0x1b1: {  	v6 =	vld [tilespmem:s13+$0xFFFFFC50];
	[tilespmem:s19+$0x150] =	vst v3  }
0x1b2: {  	[tilespmem:s19+$0xFFFFFF50] =	vst v4;
	v3 =	vld [tilespmem:s20+$0xE0]  }
0x1b3: {  	v4 =	vld [tilespmem:s20+$0x60];
	[tilespmem:s5+$0x1E0] =	vst v1  }
0x1b4: {  	v1 =	vld [tilespmem:s18+$0x4F0]  }
0x1b5: {  	v8 =	vld.idx.msk [tilespmem:v8+s6+$0x0], $0xffff  }
0x1b6: {  	v2 =	vld.idx.msk [tilespmem:v2+s6+$0x0], $0xffff  }
0x1b7: {  	v7 =	vld.idx.msk [tilespmem:v7+s6+$0x0], $0xffff  }
0x1b8: {  	v5 =	vld.idx.msk [tilespmem:v5+s6+$0x0], $0xffff  }
0x1b9: {  	v6 =	vld.idx.msk [tilespmem:v6+s6+$0x0], $0xffff  }
0x1ba: {  	v3 =	vld.idx.msk [tilespmem:v3+s6+$0x0], $0xffff  }
0x1bb: {  	v4 =	vld.idx.msk [tilespmem:v4+s6+$0x0], $0xffff;
	[tilespmem:s5+$0xFFFFFFC0] =	vst v8  }
0x1bc: {  	[tilespmem:s7+$0x40] =	vst v2;
	v1 =	vld.idx.msk [tilespmem:v1+s6+$0x0], $0xffff  }
0x1bd: {  	[tilespmem:s7+$0xFFFFFE40] =	vst v7;
	v2 =	vld [tilespmem:s11+$0xFFFFF8D0]  }
0x1be: {  	v7 =	vld [tilespmem:s11+$0xFFFFF850];
	[tilespmem:s9+$0xD0] =	vst v5  }
0x1bf: {  	[tilespmem:s9+$0xFFFFFED0] =	vst v6;
	v5 =	vld [tilespmem:s13+$0xFFFFFCE0]  }
0x1c0: {  	v6 =	vld [tilespmem:s13+$0xFFFFFC60];
	[tilespmem:s19+$0x160] =	vst v3  }
0x1c1: {  	[tilespmem:s19+$0xFFFFFF60] =	vst v4;
	v3 =	vld [tilespmem:s20+$0xF0]  }
0x1c2: {  	v4 =	vld [tilespmem:s20+$0x70];
	[tilespmem:s5+$0x1F0] =	vst v1  }
0x1c3: {  	v1 =	vld [tilespmem:s18+$0x450];
	_ =	sdelay $0x1  }
0x1c4: {  	v2 =	vld.idx.msk [tilespmem:v2+s6+$0x0], $0xffff  }
0x1c5: {  	v7 =	vld.idx.msk [tilespmem:v7+s6+$0x0], $0xffff  }
0x1c6: {  	v5 =	vld.idx.msk [tilespmem:v5+s6+$0x0], $0xffff  }
0x1c7: {  	v6 =	vld.idx.msk [tilespmem:v6+s6+$0x0], $0xffff  }
0x1c8: {  	v3 =	vld.idx.msk [tilespmem:v3+s6+$0x0], $0xffff  }
0x1c9: {  	v4 =	vld.idx.msk [tilespmem:v4+s6+$0x0], $0xffff  }
0x1ca: {  	[tilespmem:s7+$0x50] =	vst v2;
	v1 =	vld.idx.msk [tilespmem:v1+s6+$0x0], $0xffff  }
0x1cb: {  	[tilespmem:s7+$0xFFFFFE50] =	vst v7;
	v2 =	vld [tilespmem:s11+$0xFFFFF8E0]  }
0x1cc: {  	v7 =	vld [tilespmem:s11+$0xFFFFF860];
	[tilespmem:s9+$0xE0] =	vst v5  }
0x1cd: {  	[tilespmem:s9+$0xFFFFFEE0] =	vst v6;
	v5 =	vld [tilespmem:s13+$0xFFFFFCF0]  }
0x1ce: {  	v6 =	vld [tilespmem:s13+$0xFFFFFC70];
	[tilespmem:s19+$0x170] =	vst v3  }
0x1cf: {  	[tilespmem:s19+$0xFFFFFF70] =	vst v4;
	v3 =	vld [tilespmem:s20+$0x480]  }
0x1d0: {  	v4 =	vld [tilespmem:s20+$0x400];
	[tilespmem:s5+$0xFFFFFFD0] =	vst v1  }
0x1d1: {  	v1 =	vld [tilespmem:s18+$0x460];
	_ =	sdelay $0x1  }
0x1d2: {  	v2 =	vld.idx.msk [tilespmem:v2+s6+$0x0], $0xffff  }
0x1d3: {  	v7 =	vld.idx.msk [tilespmem:v7+s6+$0x0], $0xffff  }
0x1d4: {  	v5 =	vld.idx.msk [tilespmem:v5+s6+$0x0], $0xffff  }
0x1d5: {  	v6 =	vld.idx.msk [tilespmem:v6+s6+$0x0], $0xffff  }
0x1d6: {  	v3 =	vld.idx.msk [tilespmem:v3+s6+$0x0], $0xffff  }
0x1d7: {  	v4 =	vld.idx.msk [tilespmem:v4+s6+$0x0], $0xffff  }
0x1d8: {  	[tilespmem:s7+$0x60] =	vst v2;
	v1 =	vld.idx.msk [tilespmem:v1+s6+$0x0], $0xffff  }
0x1d9: {  	[tilespmem:s7+$0xFFFFFE60] =	vst v7;
	v2 =	vld [tilespmem:s11+$0xFFFFF8F0]  }
0x1da: {  	v7 =	vld [tilespmem:s11+$0xFFFFF870];
	[tilespmem:s9+$0xF0] =	vst v5  }
0x1db: {  	[tilespmem:s9+$0xFFFFFEF0] =	vst v6;
	v5 =	vld [tilespmem:s13+$0x80]  }
0x1dc: {  	v6 =	vld [tilespmem:s13+$0x0];
	[tilespmem:s19+$0x180] =	vst v3  }
0x1dd: {  	[tilespmem:s19+$0xFFFFFF80] =	vst v4;
	v3 =	vld [tilespmem:s20+$0x490]  }
0x1de: {  	v4 =	vld [tilespmem:s20+$0x410];
	[tilespmem:s5+$0xFFFFFFE0] =	vst v1  }
0x1df: {  	v1 =	vld [tilespmem:s18+$0x470];
	s18 =	smov.u32 s20;
	s20 =	smov.u32 s13;
	s13 =	smov.u32 s11  }
0x1e0: {  	_ = 	snop  }
0x1e1: {  	v2 =	vld.idx.msk [tilespmem:v2+s6+$0x0], $0xffff  }
0x1e2: {  	v7 =	vld.idx.msk [tilespmem:v7+s6+$0x0], $0xffff  }
0x1e3: {  	v5 =	vld.idx.msk [tilespmem:v5+s6+$0x0], $0xffff  }
0x1e4: {  	v6 =	vld.idx.msk [tilespmem:v6+s6+$0x0], $0xffff  }
0x1e5: {  	v3 =	vld.idx.msk [tilespmem:v3+s6+$0x0], $0xffff  }
0x1e6: {  	v4 =	vld.idx.msk [tilespmem:v4+s6+$0x0], $0xffff  }
0x1e7: {  	[tilespmem:s7+$0x70] =	vst v2;
	v2 =	vld.idx.msk [tilespmem:v1+s6+$0x0], $0xffff  }
0x1e8: {  	[tilespmem:s7+$0xFFFFFE70] =	vst v7;
	v7 =	vld [tilespmem:s11+$0xFFFFFC80]  }
0x1e9: {  	v8 =	vld [tilespmem:s11+$0xFFFFFC00];
	[tilespmem:s9+$0x100] =	vst v5  }
0x1ea: {  	[tilespmem:s9+$0xFFFFFF00] =	vst v6;
	v9 =	vld [tilespmem:s20+$0x90]  }
0x1eb: {  	v10 =	vld [tilespmem:s20+$0x10];
	[tilespmem:s19+$0x190] =	vst v3  }
0x1ec: {  	[tilespmem:s19+$0xFFFFFF90] =	vst v4;
	v11 =	vld [tilespmem:s18+$0x4A0]  }
0x1ed: {  	v1 =	vld [tilespmem:s18+$0x420];
	[tilespmem:s5+$0xFFFFFFF0] =	vst v2;
	s5 =	smov.u32 s19;
	s19 =	smov.u32 s9;
	s9 =	smov.u32 s7  }
0x1ee: {  	_ =	sdelay $0x1  }
.Ltmp2:
0x1ef: {  	v5 =	vld.idx.msk [tilespmem:v7+s6+$0x0], $0xffff;
	(pc) =	sbr.rel @p2 .LBB2_7-.Ltmp2, $4  }
0x1f0: {  	v6 =	vld.idx.msk [tilespmem:v8+s6+$0x0], $0xffff  }
0x1f1: {  	v3 =	vld.idx.msk [tilespmem:v9+s6+$0x0], $0xffff  }
0x1f2: {  	v4 =	vld.idx.msk [tilespmem:v10+s6+$0x0], $0xffff  }
0x1f3: {  	s11 =	sadd.s32 $0x100, s11;
	v2 =	vld.idx.msk [tilespmem:v11+s6+$0x0], $0xffff  }
0x1f4: {  	[tilespmem:s7+$0x80] =	vst v5  }
0x1f5: {  	[tilespmem:s7+$0xFFFFFE80] =	vst v6;
	v5 =	vld [tilespmem:s13+$0xFFFFFC90]  }
0x1f6: {  	v6 =	vld [tilespmem:s13+$0xFFFFFC10];
	_ =	sdelay $0x6  }
0x1f7: {  	v5 =	vld.idx.msk [tilespmem:v5+s6+$0x0], $0xffff  }
0x1f8: {  	v6 =	vld.idx.msk [tilespmem:v6+s6+$0x0], $0xffff;
	_ =	sdelay $0x3  }
0x1f9: {  	[tilespmem:s9+$0x90] =	vst v5  }
0x1fa: {  	[tilespmem:s9+$0xFFFFFE90] =	vst v6;
	v5 =	vld [tilespmem:s13+$0xFFFFFCA0]  }
0x1fb: {  	v6 =	vld [tilespmem:s13+$0xFFFFFC20];
	_ =	sdelay $0x6  }
0x1fc: {  	v5 =	vld.idx.msk [tilespmem:v5+s6+$0x0], $0xffff  }
0x1fd: {  	v6 =	vld.idx.msk [tilespmem:v6+s6+$0x0], $0xffff;
	_ =	sdelay $0x3  }
0x1fe: {  	[tilespmem:s9+$0xA0] =	vst v5  }
0x1ff: {  	[tilespmem:s9+$0xFFFFFEA0] =	vst v6;
	v5 =	vld [tilespmem:s13+$0xFFFFFCB0]  }
0x200: {  	v6 =	vld [tilespmem:s13+$0xFFFFFC30];
	_ =	sdelay $0x6  }
0x201: {  	v5 =	vld.idx.msk [tilespmem:v5+s6+$0x0], $0xffff  }
0x202: {  	v6 =	vld.idx.msk [tilespmem:v6+s6+$0x0], $0xffff;
	_ =	sdelay $0x3  }
0x203: {  	[tilespmem:s9+$0xB0] =	vst v5  }
0x204: {  	[tilespmem:s9+$0xFFFFFEB0] =	vst v6;
	v5 =	vld [tilespmem:s13+$0xFFFFFCC0]  }
0x205: {  	v6 =	vld [tilespmem:s13+$0xFFFFFC40];
	_ =	sdelay $0x6  }
0x206: {  	v5 =	vld.idx.msk [tilespmem:v5+s6+$0x0], $0xffff  }
0x207: {  	v6 =	vld.idx.msk [tilespmem:v6+s6+$0x0], $0xffff;
	_ =	sdelay $0x3  }
0x208: {  	[tilespmem:s9+$0xC0] =	vst v5  }
0x209: {  	[tilespmem:s9+$0xFFFFFEC0] =	vst v6;
	v5 =	vld [tilespmem:s13+$0xFFFFFCD0]  }
0x20a: {  	v6 =	vld [tilespmem:s13+$0xFFFFFC50];
	_ =	sdelay $0x6  }
0x20b: {  	v5 =	vld.idx.msk [tilespmem:v5+s6+$0x0], $0xffff  }
0x20c: {  	v6 =	vld.idx.msk [tilespmem:v6+s6+$0x0], $0xffff;
	_ =	sdelay $0x3  }
0x20d: {  	[tilespmem:s9+$0xD0] =	vst v5  }
0x20e: {  	[tilespmem:s9+$0xFFFFFED0] =	vst v6;
	v5 =	vld [tilespmem:s13+$0xFFFFFCE0]  }
0x20f: {  	v6 =	vld [tilespmem:s13+$0xFFFFFC60];
	_ =	sdelay $0x6  }
0x210: {  	v5 =	vld.idx.msk [tilespmem:v5+s6+$0x0], $0xffff  }
0x211: {  	v6 =	vld.idx.msk [tilespmem:v6+s6+$0x0], $0xffff;
	_ =	sdelay $0x3  }
0x212: {  	[tilespmem:s9+$0xE0] =	vst v5  }
0x213: {  	[tilespmem:s9+$0xFFFFFEE0] =	vst v6;
	v5 =	vld [tilespmem:s13+$0xFFFFFCF0]  }
0x214: {  	v6 =	vld [tilespmem:s13+$0xFFFFFC70];
	_ =	sdelay $0x6  }
0x215: {  	v5 =	vld.idx.msk [tilespmem:v5+s6+$0x0], $0xffff  }
0x216: {  	v6 =	vld.idx.msk [tilespmem:v6+s6+$0x0], $0xffff;
	_ =	sdelay $0x3  }
0x217: {  	[tilespmem:s9+$0xF0] =	vst v5  }
0x218: {  	[tilespmem:s9+$0xFFFFFEF0] =	vst v6;
	v5 =	vld [tilespmem:s13+$0x80]  }
0x219: {  	v6 =	vld [tilespmem:s13+$0x0];
	_ =	sdelay $0x6  }
0x21a: {  	v5 =	vld.idx.msk [tilespmem:v5+s6+$0x0], $0xffff  }
0x21b: {  	v6 =	vld.idx.msk [tilespmem:v6+s6+$0x0], $0xffff;
	_ =	sdelay $0x3  }
0x21c: {  	[tilespmem:s9+$0x100] =	vst v5  }
0x21d: {  	[tilespmem:s9+$0xFFFFFF00] =	vst v6;
	v5 =	vld [tilespmem:s13+$0x90]  }
0x21e: {  	v6 =	vld [tilespmem:s13+$0x10];
	_ =	sdelay $0x6  }
0x21f: {  	v5 =	vld.idx.msk [tilespmem:v5+s6+$0x0], $0xffff  }
0x220: {  	v6 =	vld.idx.msk [tilespmem:v6+s6+$0x0], $0xffff  }
0x221: {  	[tilespmem:s19+$0x110] =	vst v3  }
0x222: {  	v3 =	vld [tilespmem:s20+$0xA0]  }
0x223: {  	[tilespmem:s19+$0xFFFFFF10] =	vst v4  }
0x224: {  	v4 =	vld [tilespmem:s20+$0x20];
	[tilespmem:s9+$0x110] =	vst v5  }
0x225: {  	[tilespmem:s9+$0xFFFFFF10] =	vst v6;
	v5 =	vld [tilespmem:s13+$0xA0]  }
0x226: {  	v6 =	vld [tilespmem:s13+$0x20];
	_ =	sdelay $0x3  }
0x227: {  	v3 =	vld.idx.msk [tilespmem:v3+s6+$0x0], $0xffff;
	_ =	sdelay $0x1  }
0x228: {  	v4 =	vld.idx.msk [tilespmem:v4+s6+$0x0], $0xffff  }
0x229: {  	v5 =	vld.idx.msk [tilespmem:v5+s6+$0x0], $0xffff  }
0x22a: {  	v6 =	vld.idx.msk [tilespmem:v6+s6+$0x0], $0xffff  }
0x22b: {  	[tilespmem:s19+$0x120] =	vst v3  }
0x22c: {  	v3 =	vld [tilespmem:s20+$0xB0]  }
0x22d: {  	[tilespmem:s19+$0xFFFFFF20] =	vst v4  }
0x22e: {  	v4 =	vld [tilespmem:s20+$0x30];
	[tilespmem:s9+$0x120] =	vst v5  }
0x22f: {  	[tilespmem:s9+$0xFFFFFF20] =	vst v6;
	v5 =	vld [tilespmem:s13+$0xB0]  }
0x230: {  	v6 =	vld [tilespmem:s13+$0x30];
	_ =	sdelay $0x3  }
0x231: {  	v3 =	vld.idx.msk [tilespmem:v3+s6+$0x0], $0xffff;
	_ =	sdelay $0x1  }
0x232: {  	v4 =	vld.idx.msk [tilespmem:v4+s6+$0x0], $0xffff  }
0x233: {  	v5 =	vld.idx.msk [tilespmem:v5+s6+$0x0], $0xffff  }
0x234: {  	v6 =	vld.idx.msk [tilespmem:v6+s6+$0x0], $0xffff  }
0x235: {  	[tilespmem:s19+$0x130] =	vst v3  }
0x236: {  	v3 =	vld [tilespmem:s20+$0xC0]  }
0x237: {  	[tilespmem:s19+$0xFFFFFF30] =	vst v4  }
0x238: {  	v4 =	vld [tilespmem:s20+$0x40];
	[tilespmem:s9+$0x130] =	vst v5  }
0x239: {  	[tilespmem:s9+$0xFFFFFF30] =	vst v6;
	v5 =	vld [tilespmem:s13+$0xC0]  }
0x23a: {  	v6 =	vld [tilespmem:s13+$0x40];
	_ =	sdelay $0x3  }
0x23b: {  	v3 =	vld.idx.msk [tilespmem:v3+s6+$0x0], $0xffff;
	_ =	sdelay $0x1  }
0x23c: {  	v4 =	vld.idx.msk [tilespmem:v4+s6+$0x0], $0xffff  }
0x23d: {  	v5 =	vld.idx.msk [tilespmem:v5+s6+$0x0], $0xffff  }
0x23e: {  	v6 =	vld.idx.msk [tilespmem:v6+s6+$0x0], $0xffff  }
0x23f: {  	[tilespmem:s19+$0x140] =	vst v3  }
0x240: {  	v3 =	vld [tilespmem:s20+$0xD0]  }
0x241: {  	[tilespmem:s19+$0xFFFFFF40] =	vst v4  }
0x242: {  	v4 =	vld [tilespmem:s20+$0x50];
	[tilespmem:s9+$0x140] =	vst v5  }
0x243: {  	[tilespmem:s9+$0xFFFFFF40] =	vst v6;
	v5 =	vld [tilespmem:s13+$0xD0]  }
0x244: {  	v6 =	vld [tilespmem:s13+$0x50];
	_ =	sdelay $0x3  }
0x245: {  	v3 =	vld.idx.msk [tilespmem:v3+s6+$0x0], $0xffff;
	_ =	sdelay $0x1  }
0x246: {  	v4 =	vld.idx.msk [tilespmem:v4+s6+$0x0], $0xffff  }
0x247: {  	v5 =	vld.idx.msk [tilespmem:v5+s6+$0x0], $0xffff  }
0x248: {  	v6 =	vld.idx.msk [tilespmem:v6+s6+$0x0], $0xffff  }
0x249: {  	[tilespmem:s19+$0x150] =	vst v3  }
0x24a: {  	v3 =	vld [tilespmem:s20+$0xE0]  }
0x24b: {  	[tilespmem:s19+$0xFFFFFF50] =	vst v4  }
0x24c: {  	v4 =	vld [tilespmem:s20+$0x60];
	[tilespmem:s9+$0x150] =	vst v5  }
0x24d: {  	[tilespmem:s9+$0xFFFFFF50] =	vst v6;
	v5 =	vld [tilespmem:s13+$0xE0]  }
0x24e: {  	v6 =	vld [tilespmem:s13+$0x60];
	_ =	sdelay $0x3  }
0x24f: {  	v3 =	vld.idx.msk [tilespmem:v3+s6+$0x0], $0xffff;
	_ =	sdelay $0x1  }
0x250: {  	v4 =	vld.idx.msk [tilespmem:v4+s6+$0x0], $0xffff  }
0x251: {  	v5 =	vld.idx.msk [tilespmem:v5+s6+$0x0], $0xffff  }
0x252: {  	v6 =	vld.idx.msk [tilespmem:v6+s6+$0x0], $0xffff  }
0x253: {  	[tilespmem:s19+$0x160] =	vst v3  }
0x254: {  	v3 =	vld [tilespmem:s20+$0xF0]  }
0x255: {  	[tilespmem:s19+$0xFFFFFF60] =	vst v4  }
0x256: {  	v4 =	vld [tilespmem:s20+$0x70];
	[tilespmem:s9+$0x160] =	vst v5  }
0x257: {  	[tilespmem:s9+$0xFFFFFF60] =	vst v6;
	v5 =	vld [tilespmem:s13+$0xF0]  }
0x258: {  	v6 =	vld [tilespmem:s13+$0x70];
	_ =	sdelay $0x3  }
0x259: {  	v3 =	vld.idx.msk [tilespmem:v3+s6+$0x0], $0xffff;
	_ =	sdelay $0x1  }
0x25a: {  	v4 =	vld.idx.msk [tilespmem:v4+s6+$0x0], $0xffff  }
0x25b: {  	v5 =	vld.idx.msk [tilespmem:v5+s6+$0x0], $0xffff  }
0x25c: {  	v6 =	vld.idx.msk [tilespmem:v6+s6+$0x0], $0xffff  }
0x25d: {  	[tilespmem:s19+$0x170] =	vst v3  }
0x25e: {  	v3 =	vld [tilespmem:s20+$0x480]  }
0x25f: {  	[tilespmem:s19+$0xFFFFFF70] =	vst v4  }
0x260: {  	v4 =	vld [tilespmem:s20+$0x400];
	[tilespmem:s9+$0x170] =	vst v5  }
0x261: {  	[tilespmem:s9+$0xFFFFFF70] =	vst v6;
	v5 =	vld [tilespmem:s13+$0x480]  }
0x262: {  	v6 =	vld [tilespmem:s13+$0x400];
	_ =	sdelay $0x3  }
0x263: {  	v3 =	vld.idx.msk [tilespmem:v3+s6+$0x0], $0xffff;
	_ =	sdelay $0x1  }
0x264: {  	v4 =	vld.idx.msk [tilespmem:v4+s6+$0x0], $0xffff  }
0x265: {  	v5 =	vld.idx.msk [tilespmem:v5+s6+$0x0], $0xffff  }
0x266: {  	v6 =	vld.idx.msk [tilespmem:v6+s6+$0x0], $0xffff  }
0x267: {  	[tilespmem:s19+$0x180] =	vst v3  }
0x268: {  	v3 =	vld [tilespmem:s20+$0x490]  }
0x269: {  	[tilespmem:s19+$0xFFFFFF80] =	vst v4  }
0x26a: {  	v4 =	vld [tilespmem:s20+$0x410];
	[tilespmem:s9+$0x180] =	vst v5  }
0x26b: {  	[tilespmem:s9+$0xFFFFFF80] =	vst v6;
	v5 =	vld [tilespmem:s13+$0x490]  }
0x26c: {  	v6 =	vld [tilespmem:s13+$0x410];
	_ =	sdelay $0x3  }
0x26d: {  	v3 =	vld.idx.msk [tilespmem:v3+s6+$0x0], $0xffff;
	_ =	sdelay $0x1  }
0x26e: {  	v4 =	vld.idx.msk [tilespmem:v4+s6+$0x0], $0xffff  }
0x26f: {  	v5 =	vld.idx.msk [tilespmem:v5+s6+$0x0], $0xffff  }
0x270: {  	v6 =	vld.idx.msk [tilespmem:v6+s6+$0x0], $0xffff  }
0x271: {  	[tilespmem:s19+$0x190] =	vst v3  }
0x272: {  	v3 =	vld [tilespmem:s20+$0x4A0]  }
0x273: {  	[tilespmem:s19+$0xFFFFFF90] =	vst v4  }
0x274: {  	v4 =	vld [tilespmem:s20+$0x420];
	[tilespmem:s9+$0x190] =	vst v5  }
0x275: {  	[tilespmem:s9+$0xFFFFFF90] =	vst v6;
	v5 =	vld [tilespmem:s13+$0x4A0]  }
0x276: {  	v6 =	vld [tilespmem:s13+$0x420];
	_ =	sdelay $0x2  }
0x277: {  	v1 =	vld.idx.msk [tilespmem:v1+s6+$0x0], $0xffff  }
0x278: {  	v3 =	vld.idx.msk [tilespmem:v3+s6+$0x0], $0xffff;
	_ =	sdelay $0x1  }
0x279: {  	v4 =	vld.idx.msk [tilespmem:v4+s6+$0x0], $0xffff  }
0x27a: {  	[tilespmem:s5+$0x1A0] =	vst v2;
	v5 =	vld.idx.msk [tilespmem:v5+s6+$0x0], $0xffff  }
0x27b: {  	[tilespmem:s5+$0xFFFFFFA0] =	vst v1;
	v2 =	vld.idx.msk [tilespmem:v6+s6+$0x0], $0xffff  }
0x27c: {  	v1 =	vld [tilespmem:s18+$0x430];
	[tilespmem:s19+$0x1A0] =	vst v3  }
0x27d: {  	v3 =	vld [tilespmem:s20+$0x4B0]  }
0x27e: {  	v63 =	vld [tilespmem:s18+$0x4B0];
	[tilespmem:s19+$0xFFFFFFA0] =	vst v4  }
0x27f: {  	v4 =	vld [tilespmem:s20+$0x430];
	[tilespmem:s9+$0x1A0] =	vst v5  }
0x280: {  	v5 =	vld [tilespmem:s13+$0x4B0];
	[tilespmem:s9+$0xFFFFFFA0] =	vst v2  }
0x281: {  	v2 =	vld [tilespmem:s13+$0x430];
	_ =	sdelay $0x2  }
0x282: {  	v1 =	vld.idx.msk [tilespmem:v1+s6+$0x0], $0xffff  }
0x283: {  	v3 =	vld.idx.msk [tilespmem:v3+s6+$0x0], $0xffff  }
0x284: {  	v6 =	vld.idx.msk [tilespmem:v63+s6+$0x0], $0xffff  }
0x285: {  	v4 =	vld.idx.msk [tilespmem:v4+s6+$0x0], $0xffff  }
0x286: {  	v5 =	vld.idx.msk [tilespmem:v5+s6+$0x0], $0xffff  }
0x287: {  	[tilespmem:s5+$0xFFFFFFB0] =	vst v1;
	v2 =	vld.idx.msk [tilespmem:v2+s6+$0x0], $0xffff  }
0x288: {  	v1 =	vld [tilespmem:s18+$0x440];
	[tilespmem:s19+$0x1B0] =	vst v3  }
0x289: {  	v3 =	vld [tilespmem:s20+$0x4C0];
	[tilespmem:s5+$0x1B0] =	vst v6  }
0x28a: {  	[tilespmem:s19+$0xFFFFFFB0] =	vst v4;
	v6 =	vld [tilespmem:s18+$0x4C0]  }
0x28b: {  	v4 =	vld [tilespmem:s20+$0x440];
	[tilespmem:s9+$0x1B0] =	vst v5  }
0x28c: {  	v5 =	vld [tilespmem:s13+$0x4C0];
	[tilespmem:s9+$0xFFFFFFB0] =	vst v2  }
0x28d: {  	v2 =	vld [tilespmem:s13+$0x440];
	_ =	sdelay $0x2  }
0x28e: {  	v1 =	vld.idx.msk [tilespmem:v1+s6+$0x0], $0xffff  }
0x28f: {  	v3 =	vld.idx.msk [tilespmem:v3+s6+$0x0], $0xffff  }
0x290: {  	v6 =	vld.idx.msk [tilespmem:v6+s6+$0x0], $0xffff  }
0x291: {  	v4 =	vld.idx.msk [tilespmem:v4+s6+$0x0], $0xffff  }
0x292: {  	v5 =	vld.idx.msk [tilespmem:v5+s6+$0x0], $0xffff  }
0x293: {  	[tilespmem:s5+$0xFFFFFFC0] =	vst v1;
	v2 =	vld.idx.msk [tilespmem:v2+s6+$0x0], $0xffff  }
0x294: {  	v1 =	vld [tilespmem:s18+$0x450];
	[tilespmem:s19+$0x1C0] =	vst v3  }
0x295: {  	v3 =	vld [tilespmem:s20+$0x4D0];
	[tilespmem:s5+$0x1C0] =	vst v6  }
0x296: {  	[tilespmem:s19+$0xFFFFFFC0] =	vst v4;
	v6 =	vld [tilespmem:s18+$0x4D0]  }
0x297: {  	v4 =	vld [tilespmem:s20+$0x450];
	[tilespmem:s9+$0x1C0] =	vst v5  }
0x298: {  	v5 =	vld [tilespmem:s13+$0x4D0];
	[tilespmem:s9+$0xFFFFFFC0] =	vst v2  }
0x299: {  	v2 =	vld [tilespmem:s13+$0x450];
	_ =	sdelay $0x2  }
0x29a: {  	v1 =	vld.idx.msk [tilespmem:v1+s6+$0x0], $0xffff  }
0x29b: {  	v3 =	vld.idx.msk [tilespmem:v3+s6+$0x0], $0xffff  }
0x29c: {  	v6 =	vld.idx.msk [tilespmem:v6+s6+$0x0], $0xffff  }
0x29d: {  	v4 =	vld.idx.msk [tilespmem:v4+s6+$0x0], $0xffff  }
0x29e: {  	v5 =	vld.idx.msk [tilespmem:v5+s6+$0x0], $0xffff  }
0x29f: {  	[tilespmem:s5+$0xFFFFFFD0] =	vst v1;
	v2 =	vld.idx.msk [tilespmem:v2+s6+$0x0], $0xffff  }
0x2a0: {  	v1 =	vld [tilespmem:s18+$0x460];
	[tilespmem:s19+$0x1D0] =	vst v3  }
0x2a1: {  	v3 =	vld [tilespmem:s20+$0x4E0];
	[tilespmem:s5+$0x1D0] =	vst v6  }
0x2a2: {  	[tilespmem:s19+$0xFFFFFFD0] =	vst v4;
	v6 =	vld [tilespmem:s18+$0x4E0]  }
0x2a3: {  	v4 =	vld [tilespmem:s20+$0x460];
	[tilespmem:s9+$0x1D0] =	vst v5  }
0x2a4: {  	v5 =	vld [tilespmem:s13+$0x4E0];
	[tilespmem:s9+$0xFFFFFFD0] =	vst v2  }
0x2a5: {  	v2 =	vld [tilespmem:s13+$0x460];
	_ =	sdelay $0x2  }
0x2a6: {  	v1 =	vld.idx.msk [tilespmem:v1+s6+$0x0], $0xffff  }
0x2a7: {  	v3 =	vld.idx.msk [tilespmem:v3+s6+$0x0], $0xffff  }
0x2a8: {  	v6 =	vld.idx.msk [tilespmem:v6+s6+$0x0], $0xffff  }
0x2a9: {  	v4 =	vld.idx.msk [tilespmem:v4+s6+$0x0], $0xffff  }
0x2aa: {  	v5 =	vld.idx.msk [tilespmem:v5+s6+$0x0], $0xffff  }
0x2ab: {  	[tilespmem:s5+$0xFFFFFFE0] =	vst v1;
	v2 =	vld.idx.msk [tilespmem:v2+s6+$0x0], $0xffff  }
0x2ac: {  	v1 =	vld [tilespmem:s18+$0x470];
	[tilespmem:s19+$0x1E0] =	vst v3  }
0x2ad: {  	v3 =	vld [tilespmem:s20+$0x4F0];
	[tilespmem:s5+$0x1E0] =	vst v6  }
0x2ae: {  	[tilespmem:s19+$0xFFFFFFE0] =	vst v4;
	v6 =	vld [tilespmem:s18+$0x4F0]  }
0x2af: {  	v4 =	vld [tilespmem:s20+$0x470];
	[tilespmem:s9+$0x1E0] =	vst v5  }
0x2b0: {  	v5 =	vld [tilespmem:s13+$0x4F0];
	[tilespmem:s9+$0xFFFFFFE0] =	vst v2  }
0x2b1: {  	v2 =	vld [tilespmem:s13+$0x470];
	_ =	sdelay $0x2  }
0x2b2: {  	v1 =	vld.idx.msk [tilespmem:v1+s6+$0x0], $0xffff  }
0x2b3: {  	v3 =	vld.idx.msk [tilespmem:v3+s6+$0x0], $0xffff  }
0x2b4: {  	v6 =	vld.idx.msk [tilespmem:v6+s6+$0x0], $0xffff  }
0x2b5: {  	v4 =	vld.idx.msk [tilespmem:v4+s6+$0x0], $0xffff  }
0x2b6: {  	v5 =	vld.idx.msk [tilespmem:v5+s6+$0x0], $0xffff  }
0x2b7: {  	[tilespmem:s5+$0xFFFFFFF0] =	vst v1;
	v2 =	vld.idx.msk [tilespmem:v2+s6+$0x0], $0xffff  }
0x2b8: {  	[tilespmem:s19+$0x1F0] =	vst v3  }
0x2b9: {  	[tilespmem:s5+$0x1F0] =	vst v6;
	s5 =	sshll.u32 s3, $0x11  }
0x2ba: {  	p2 =	sgt.u32 s3, $0x14;
	[tilespmem:s19+$0xFFFFFFF0] =	vst v4;
	s19 =	sadd.s32 s15, s5  }
0x2bb: {  	s5 =	sadd.s32 @!p2 s14, s5;
	s7 =	sshrl.u32 s19, $0x3;
	[tilespmem:s9+$0x1F0] =	vst v5  }
0x2bc: {  	s20 =	sadd.s32 $0x5, s17;
	s5 =	sshrl.u32 @!p2 s5, $0x3;
	s7 =	sadd.s32 s4, s7;
	[tilespmem:s9+$0xFFFFFFF0] =	vst v2  }
0x2bd: {  	[hbm4b:s7+s24] =	stream.strided.scatter [tilespmem:s12], [sflag:s20], $0x1000, s25, s24, $0x38;
	[tilespmem:$0xB8C0] =	vst v63  }
0x2be: {  	s3 =	sadd.s32 $0x1, s3;
	s5 =	sadd.s32 @!p2 s2, s5;
	s7 =	simm.s32 @!p2 $0x0  }
0x2bf: {  	[tilespmem:s23], [sflag:s1] =	stream.linear.gather @!p2 [hbm4b:s5+s7], $0x1000, $0x38;
	[tilespmem:$0xB8C0] =	vst v63  }
0x2c0: {  	p2 =	sne.s32 s3, $0x19  }
.Ltmp3:
0x2c1: {  	_ = 	snop;
	(pc) =	sbr.rel @p2 .LBB2_6-.Ltmp3, $2  }
0x2c2: {  	_ =	sdelay $0x2  }
0x2c3: {  	s0 =	sadd.s32 $0x1, s0  }
0x2c4: {  	_ =	swait.ge [sflag:s26], $0x1000  }
0x2c5: {  	[sflag:s26] =	ssyncset.done $0x0  }
0x2c6: {  	[sflag:s26] =	ssyncadd.s32 $0xFFFFF000  }
0x2c7: {  	_ =	swait.ge [sflag:s28], $0x1000  }
0x2c8: {  	[sflag:s28] =	ssyncset.done $0x0  }
0x2c9: {  	s31 =	sadd.s32 $0x1, s31;
	[sflag:s28] =	ssyncadd.s32 $0xFFFFF000  }
0x2ca: {  	p2 =	sne.s32 s31, s16;
	_ =	swait.ge [sflag:s29], $0x1000  }
.Ltmp4:
0x2cb: {  	[sflag:s29] =	ssyncset.done $0x0;
	(pc) =	sbr.rel @p2 .LBB2_1-.Ltmp4, $4  }
0x2cc: {  	[sflag:s29] =	ssyncadd.s32 $0xFFFFF000  }
0x2cd: {  	_ =	swait.ge [sflag:s30], $0x1000  }
0x2ce: {  	[sflag:s30] =	ssyncset.done $0x0  }
0x2cf: {  	[sflag:s30] =	ssyncadd.s32 $0xFFFFF000  }
0x2d0: {  	_ =	sfence.sel $0x180000  }
0x2d1: {  	[bflag:$0x0] =	sbarrier.arrive $0xFFFF  }
0x2d2: {  	_ =	strace $0x90000047  }
0x2d3: {  	s0 =	stileid.u32;
	[bflag:$0x2] =	sbarrier.arrive $0xFFFF  }
0x2d4: {  	p0 =	sne.s32 s0, $0x0;
	s0 =	rddreg [dreg:$0x5]  }
0x2d5: {  	s0 =	sadd.s32 @!p0 $0x100000, s0  }
0x2d6: {  	[sflag:s0] =	ssyncadd.tile.s32 @!p0 $0x1;
	_ =	shalt  }
.Lfunc_end2:
_tile_overlayer_lowered:
.L_overlay_start_2:
0x2d7: {  	(tag) =	ssettag $0x2  }
0x2d8: {  	s0 =	rddreg [dreg:$0x0];
	s2 =	stileid.u32  }
0x2d9: {  	s1 =	rddreg [dreg:$0x1];
	p0 =	sne.s32 s2, $0x0  }
0x2da: {  	s3 =	rddreg [dreg:$0x2];
	[bflag:$0x3] =	sbarrier.arrive $0xFFFF;
	s2 =	simm.s32 @!p0 $0x1C09  }
0x2db: {  	[timem:s3], [sflag:s2] =	dma.local @!p0 [hbm:s0], s1  }
0x2dc: {  	s0 =	simm.s32 @!p0 $0x9  }
0x2dd: {  	_ =	swait.ge @!p0 [sflag:s0], s1  }
0x2de: {  	s1 =	ssub.s32 @!p0 $0x0, s1;
	[sflag:s0] =	ssyncset.done @!p0 $0x0  }
0x2df: {  	[sflag:s0] =	ssyncadd.s32 @!p0 s1  }
0x2e0: {  	[bflag:$0x3] =	sbarrier.arrive $0xFFFF  }
0x2e1: {  	_ =	shalt  }

</sc_bundles>
